<compile_context>
chip_gen: v7x
topology: tpu7x:2x2x1
jax: 0.10.2.dev20260603
libtpu: 0.0.44.dev20260713+nightly
codegen_flags: <defaults>
</compile_context>

<pallas_src>
import functools

import jax
import jax.numpy as jnp
from jax import lax
from jax.experimental import pallas as pl
from jax.experimental.pallas import tpu as pltpu
from jax.experimental.pallas import tpu_sc as plsc

_N = 10000
_E = 320000
_D = 128

_NC = 2
_NS = 16
_NW = _NC * _NS
_PER_W = _E // _NW
_CH = 400
_DP = 64
_CHA = 256
_CHB = 144
_N_PAD = 10240
_N_HALF = _N_PAD // _NC
_ROWS_T = _N_HALF // _NS
_EH0 = 153600
_EH1 = _E - _EH0


def _sc_gather_count(x, row, col, eh, off):
    mesh = plsc.VectorSubcoreMesh(core_axis_name="c", subcore_axis_name="s")
    per_w = eh // _NW
    GA, GB = 208, 192
    NPAIR = per_w // (GA + GB)
    gbufs_ch = (GA, GB)

    @functools.partial(
        pl.kernel,
        out_type=(
            jax.ShapeDtypeStruct((eh, _D), jnp.float32),
            jax.ShapeDtypeStruct((_NW * _N_PAD,), jnp.float32),
        ),
        mesh=mesh,
        scratch_types=[
            pltpu.VMEM((per_w,), jnp.int32),
            pltpu.VMEM((per_w,), jnp.int32),
            pltpu.VMEM((GA, _D), jnp.float32),
            pltpu.VMEM((GB, _D), jnp.float32),
            pltpu.VMEM((_N_PAD,), jnp.float32),
            pltpu.SemaphoreType.DMA,
            pltpu.SemaphoreType.DMA,
            pltpu.SemaphoreType.DMA,
            pltpu.SemaphoreType.DMA,
        ],
        compiler_params=pltpu.CompilerParams(needs_layout_passes=False),
    )
    def k(x_hbm, row_hbm, col_hbm, out_hbm, cnt_hbm, idx_v, col_v, rows_a,
          rows_b, hist_v, sem_i, sem_g, sem_wa, sem_wb):
        wid = lax.axis_index("s") * _NC + lax.axis_index("c")
        span = wid * per_w
        zeros16 = jnp.zeros((16,), jnp.float32)
        ones16 = jnp.ones((16,), jnp.float32)

        cp_i = pltpu.async_copy(
            row_hbm.at[pl.ds(off + span, per_w)], idx_v, sem_i)
        cp_c = pltpu.async_copy(
            col_hbm.at[pl.ds(off + span, per_w)], col_v, sem_i)

        def zbody(i, carry):
            hist_v[pl.ds(i * 16, 16)] = zeros16
            return carry

        lax.fori_loop(0, _N_PAD // 16, zbody, 0)
        cp_i.wait()
        cp_c.wait()

        bufs = ((rows_a, sem_wa, GA, 0), (rows_b, sem_wb, GB, GA))

        def body(p, carry):
            for rows_v, sem_w, ch, coff in bufs:
                base = span + p * (GA + GB) + coff

                @pl.when(p > 0)
                def _():
                    pltpu.make_async_copy(
                        rows_v, out_hbm.at[pl.ds(base - GA - GB, ch)],
                        sem_w).wait()

                pltpu.async_copy(
                    x_hbm.at[idx_v.at[pl.ds(base - span, ch)]], rows_v,
                    sem_g).wait()
                pltpu.async_copy(rows_v, out_hbm.at[pl.ds(base, ch)], sem_w)
            return carry

        lax.fori_loop(0, NPAIR, body, 0)
        for rows_v, sem_w, ch, coff in bufs:
            base = span + (NPAIR - 1) * (GA + GB) + coff
            pltpu.make_async_copy(
                rows_v, out_hbm.at[pl.ds(base, ch)], sem_w).wait()

        def hbody(j, c2):
            idx16 = col_v[pl.ds(j * 16, 16)]
            plsc.addupdate_scatter(hist_v, [idx16], ones16)
            return c2

        lax.fori_loop(0, per_w // 16, hbody, 0)
        pltpu.sync_copy(hist_v, cnt_hbm.at[pl.ds(wid * _N_PAD, _N_PAD)])

    return k(x, row, col)


def _sc_scatter(h0, h1, col, zeros_tile):
    mesh = plsc.VectorSubcoreMesh(core_axis_name="c", subcore_axis_name="s")

    @functools.partial(
        pl.kernel,
        out_type=jax.ShapeDtypeStruct((_NC, _N_HALF, _D), jnp.float32),
        mesh=mesh,
        scratch_types=[
            pltpu.VMEM((_CHA,), jnp.int32),
            pltpu.VMEM((_CHB,), jnp.int32),
            pltpu.VMEM((_CHA, _D), jnp.float32),
            pltpu.VMEM((_CHB, _D), jnp.float32),
            pltpu.VMEM_SHARED((_N_HALF + 8, _D), jnp.float32),
            pltpu.SemaphoreType.DMA,
            pltpu.SemaphoreType.DMA,
            pltpu.SemaphoreType.DMA,
            pltpu.SemaphoreType.DMA,
            pltpu.SemaphoreType.DMA,
            pltpu.SemaphoreType.DMA,
        ],
        compiler_params=pltpu.CompilerParams(needs_layout_passes=False),
    )
    def k(h0_hbm, h1_hbm, col_hbm, zero_hbm, out_hbm, idx_a, idx_b, rows_a,
          rows_b, acc_sh, sem_ia, sem_ib, sem_ra, sem_rb, sem_sa, sem_sb):
        c = lax.axis_index("c")
        s = lax.axis_index("s")
        nbase = c * _N_HALF
        bufs = ((idx_a, rows_a, _CHA, 0, sem_ia, sem_ra, sem_sa),
                (idx_b, rows_b, _CHB, _CHA, sem_ib, sem_rb, sem_sb))

        def wait_stream(bset):
            idx_v, rows_v = bset[0], bset[1]
            pltpu.make_async_copy(rows_v, acc_sh.at[idx_v], bset[6]).wait()

        def run_half(h_hbm, col_off, per_t):
            npair = per_t // (_CHA + _CHB)

            def start_dma(pair, bset):
                idx_v, rows_v, ch, off, sem_i, sem_r, _ = bset
                base = s * per_t + pair * (_CHA + _CHB) + off
                pltpu.async_copy(
                    col_hbm.at[pl.ds(col_off + base, ch)], idx_v, sem_i)
                pltpu.async_copy(h_hbm.at[pl.ds(base, ch)], rows_v, sem_r)

            def wait_dma(pair, bset):
                idx_v, rows_v, ch, off, sem_i, sem_r, _ = bset
                base = s * per_t + pair * (_CHA + _CHB) + off
                pltpu.make_async_copy(
                    col_hbm.at[pl.ds(col_off + base, ch)], idx_v,
                    sem_i).wait()
                pltpu.make_async_copy(
                    h_hbm.at[pl.ds(base, ch)], rows_v, sem_r).wait()

            start_dma(0, bufs[0])

            def body(io, carry):
                for b in range(2):
                    bset = bufs[b]
                    idx_v, rows_v, ch = bset[0], bset[1], bset[2]
                    sem_s = bset[6]
                    wait_dma(io, bset)

                    def tbody(j, c2):
                        c16 = idx_v[pl.ds(j * 16, 16)]
                        loc = c16 - nbase
                        ok = jnp.logical_and(loc >= 0, loc < _N_HALF)
                        idx_v[pl.ds(j * 16, 16)] = jnp.where(ok, loc, _N_HALF)
                        return c2

                    lax.fori_loop(0, ch // 16, tbody, 0)
                    pltpu.async_copy(rows_v, acc_sh.at[idx_v], sem_s,
                                     add=True)
                    other = bufs[1 - b]
                    if b == 0:
                        @pl.when(io >= 1)
                        def _():
                            wait_stream(other)

                        start_dma(io, other)
                    else:
                        @pl.when(io < npair - 1)
                        def _():
                            wait_stream(other)
                            start_dma(io + 1, other)

                return carry

            lax.fori_loop(0, npair, body, 0)
            wait_stream(bufs[0])
            wait_stream(bufs[1])

        pltpu.sync_copy(zero_hbm, acc_sh.at[pl.ds(s * _ROWS_T, _ROWS_T)])

        @pl.when(s == 0)
        def _():
            pltpu.sync_copy(zero_hbm.at[pl.ds(0, 8)],
                            acc_sh.at[pl.ds(_N_HALF, 8)])

        plsc.subcore_barrier()
        run_half(h0_hbm, 0, _EH0 // _NS)
        run_half(h1_hbm, _EH0, _EH1 // _NS)
        plsc.subcore_barrier()
        pltpu.sync_copy(
            acc_sh.at[pl.ds(s * _ROWS_T, _ROWS_T)],
            out_hbm.at[c].at[pl.ds(s * _ROWS_T, _ROWS_T)],
        )

    return k(h0, h1, col, zeros_tile)


def _edge_mlp(g, ea, w0x, w0e, b0, w1, b1, w2, b2, w3, b3, w4):
    eh = g.shape[0]
    BE = eh // 80
    grid = (eh // BE,)

    dot = functools.partial(jnp.dot, preferred_element_type=jnp.float32)
    bf = jnp.bfloat16

    def body(g_ref, e_ref, w0x_r, w0e_r, b0_r, w1_r, b1_r, w2_r, b2_r,
             w3_r, b3_r, w4_r, out_ref):
        g = g_ref[...].astype(bf)
        h = dot(g, w0x_r[...]) + dot(e_ref[...], w0e_r[...]) + b0_r[...]
        h = jnp.maximum(h, 0.0).astype(bf)
        h = jnp.maximum(dot(h, w1_r[...]) + b1_r[...], 0.0).astype(bf)
        h = jnp.maximum(dot(h, w2_r[...]) + b2_r[...], 0.0).astype(bf)
        h = jnp.maximum(dot(h, w3_r[...]) + b3_r[...], 0.0).astype(bf)
        out_ref[...] = dot(h, w4_r[...])

    full = lambda shape: pl.BlockSpec(shape, lambda i: (0,) * len(shape))
    return pl.pallas_call(
        body,
        grid=grid,
        in_specs=[
            pl.BlockSpec((BE, _D), lambda i: (i, 0)),
            pl.BlockSpec((BE, 16), lambda i: (i, 0)),
            full((_D, 128)), full((16, 128)), full((1, 128)),
            full((128, 128)), full((1, 128)),
            full((128, 128)), full((1, 128)),
            full((128, 144)), full((1, 144)),
            full((144, 128)),
        ],
        out_specs=pl.BlockSpec((BE, _D), lambda i: (i, 0)),
        out_shape=jax.ShapeDtypeStruct((eh, _D), jnp.float32),
    )(g, ea, w0x, w0e, b0, w1, b1, w2, b2, w3, b3, w4)


def _node_mlp(x, partials, cnt_parts, ga, w0x, w0g, b0, w1, b1, w2, b2,
              w3, b3):
    BN = 2048
    grid = (_N_PAD // BN,)

    def body(x_ref, p_ref, c_ref, ones_r, ga_r, w0x_r, w0g_r, b0_r, w1_r,
             b1_r, w2_r, b2_r, w3_r, b3_r, out_ref):
        s = p_ref[...]
        cnt = lax.dot_general(c_ref[...], ones_r[...],
                              (((0,), (0,)), ((), ())))
        agg = s * (1.0 / jnp.maximum(cnt, 1.0))
        bfc = jnp.bfloat16
        dot = functools.partial(jnp.dot, preferred_element_type=jnp.float32)
        gb = ga_r[...] @ w0g_r[...] + b0_r[...]
        h = dot(x_ref[...].astype(bfc), w0x_r[...].astype(bfc)) + agg + gb
        h = jnp.maximum(h, 0.0).astype(bfc)
        h = jnp.maximum(dot(h, w1_r[...].astype(bfc)) + b1_r[...],
                        0.0).astype(bfc)
        h = jnp.maximum(dot(h, w2_r[...].astype(bfc)) + b2_r[...],
                        0.0).astype(bfc)
        out_ref[...] = dot(h, w3_r[...].astype(bfc)) + b3_r[...]

    full = lambda shape: pl.BlockSpec(shape, lambda i: (0,) * len(shape))
    return pl.pallas_call(
        body,
        grid=grid,
        in_specs=[
            pl.BlockSpec((BN, _D), lambda i: (i, 0)),
            pl.BlockSpec((BN, _D), lambda i: (i, 0)),
            pl.BlockSpec((2 * _NW, BN), lambda i: (0, i)),
            full((2 * _NW, 1)),
            full((1, 16)),
            full((_D, 128)), full((16, 128)), full((1, 128)),
            full((128, 128)), full((1, 128)),
            full((128, 128)), full((1, 128)),
            full((128, 128)), full((1, 128)),
        ],
        out_specs=pl.BlockSpec((BN, 128), lambda i: (i, 0)),
        out_shape=jax.ShapeDtypeStruct((_N_PAD, 128), jnp.float32),
    )(x, partials, cnt_parts, jnp.ones((2 * _NW, 1), jnp.float32), ga, w0x,
      w0g, b0, w1, b1, w2, b2, w3, b3)


def kernel(x, edge_index, edge_attr, global_attr,
           W10, b10, W11, b11, W12, b12, W13, b13,
           W20, b20, W21, b21, W22, b22, W23, b23):
    row = edge_index[0]
    col = edge_index[1]

    w10x = W10[:_D]
    w10e = W10[_D:]
    w20x = W20[:_D]
    w20a = W20[_D:_D + 144]
    w20g = W20[_D + 144:]

    bf = jnp.bfloat16
    ea = edge_attr.astype(bf)
    ew = (w10x.astype(bf), w10e.astype(bf), b10.reshape(1, -1),
          W11.astype(bf), b11.reshape(1, -1),
          W12.astype(bf), b12.reshape(1, -1),
          W13.astype(bf), b13.reshape(1, -1),
          w20a.astype(bf))
    g0, cnt0 = _sc_gather_count(x, row, col, _EH0, 0)
    g1, cnt1 = _sc_gather_count(x, row, col, _EH1, _EH0)
    h0 = _edge_mlp(g0, ea[:_EH0], *ew)
    h1 = _edge_mlp(g1, ea[_EH0:], *ew)
    cnt_parts = jnp.concatenate([cnt0, cnt1]).reshape(2 * _NW, _N_PAD)
    zeros_tile = jnp.zeros((_ROWS_T, _D), jnp.float32)
    sums = _sc_scatter(h0, h1, col, zeros_tile).reshape(_N_PAD, _D)
    x_pad = jnp.concatenate(
        [x, jnp.zeros((_N_PAD - _N, _D), jnp.float32)], axis=0)
    out = _node_mlp(x_pad, sums, cnt_parts, global_attr,
                    w20x, w20g, b20.reshape(1, -1),
                    W21, b21.reshape(1, -1),
                    W22, b22.reshape(1, -1),
                    W23, b23.reshape(1, -1))
    return out[:_N]

# --- scband reference (transcript-rebuilt; emitter-appended) ---
"""Pipeline reference for scband-node-model-25598005084722 (READ-ONLY COPY).

The authoritative reference and input builder live on the scoring server;
editing this copy changes nothing except your own understanding.
"""

import jax, jax.numpy as jnp
import numpy as np

N = 10000
E = 320000
D_IN = 128
D_EDGE = 16
D_GLOBAL = 16
D_OUT = 128
LATENT = 128


def _init_linear(key, fan_in, fan_out):
    kw, kb = jax.random.split(key)
    lim = 1.0 / np.sqrt(fan_in)
    W = jax.random.uniform(kw, (fan_in, fan_out), minval=-lim, maxval=lim, dtype=jnp.float32)
    b = jax.random.uniform(kb, (fan_out,), minval=-lim, maxval=lim, dtype=jnp.float32)
    return W, b


def setup_inputs(seed: int = 0):
    key = jax.random.key(seed)
    ks = jax.random.split(key, 16)
    inp = {}
    inp['x'] = jax.random.normal(ks[0], (N, D_IN), dtype=jnp.float32)
    inp['edge_index'] = jax.random.randint(ks[1], (2, E), 0, N, dtype=jnp.int32)
    inp['edge_attr'] = jax.random.normal(ks[2], (E, D_EDGE), dtype=jnp.float32)
    inp['global_attr'] = jax.random.normal(ks[3], (1, D_GLOBAL), dtype=jnp.float32)
    d1 = D_IN + D_EDGE  # 144
    dims1 = [(d1, LATENT), (LATENT, LATENT), (LATENT, LATENT), (LATENT, d1)]
    d2 = 2 * D_IN + D_EDGE + D_GLOBAL  # 288
    dims2 = [(d2, LATENT), (LATENT, LATENT), (LATENT, LATENT), (LATENT, D_OUT)]
    for i, (fi, fo) in enumerate(dims1):
        W, b = _init_linear(ks[4 + i], fi, fo)
        inp['W1%d' % i] = W
        inp['b1%d' % i] = b
    for i, (fi, fo) in enumerate(dims2):
        W, b = _init_linear(ks[8 + i], fi, fo)
        inp['W2%d' % i] = W
        inp['b2%d' % i] = b
    return inp


def reference(x, edge_index, edge_attr, global_attr,
              W10, b10, W11, b11, W12, b12, W13, b13,
              W20, b20, W21, b21, W22, b22, W23, b23):
    row = edge_index[0]
    col = edge_index[1]
    receiver = jnp.take(x, row, axis=0)
    h = jnp.concatenate([receiver, edge_attr], axis=1)
    # node_mlp_1 (activate_final=True)
    h = jax.nn.relu(h @ W10 + b10)
    h = jax.nn.relu(h @ W11 + b11)
    h = jax.nn.relu(h @ W12 + b12)
    h = jax.nn.relu(h @ W13 + b13)
    # scatter_mean over destination nodes
    sums = jax.ops.segment_sum(h, col, num_segments=N)
    counts = jax.ops.segment_sum(jnp.ones((E,), jnp.float32), col, num_segments=N)
    agg = sums / jnp.maximum(counts, 1.0)[:, None]
    # pad_to_size(global_attr, N, mode='repeat')
    g = jnp.tile(global_attr, (N // global_attr.shape[0], 1))
    h2 = jnp.concatenate([x, agg, g], axis=1)
    # node_mlp_2 (activate_final=False)
    h2 = jax.nn.relu(h2 @ W20 + b20)
    h2 = jax.nn.relu(h2 @ W21 + b21)
    h2 = jax.nn.relu(h2 @ W22 + b22)
    out = h2 @ W23 + b23
    return out

if __name__ == "__main__":
    import jax
    _d = setup_inputs()
    print(jax.jit(kernel)(*tuple(_d.values())))

</pallas_src>

<mosaic_0001>
#map = affine_map<(d0, d1) -> (0, 0)>
#map1 = affine_map<(d0, d1) -> (0)>
module attributes {stable_mosaic.version = 14 : i64} {
  func.func @k(%arg0: i32, %arg1: i32, %arg2: memref<10000x128xf32, #tpu.memory_space<hbm>>, %arg3: memref<320000xi32, #tpu.memory_space<hbm>>, %arg4: memref<320000xi32, #tpu.memory_space<hbm>>, %arg5: memref<166400x128xf32, #tpu.memory_space<hbm>>, %arg6: memref<327680xf32, #tpu.memory_space<hbm>>, %arg7: memref<5200xi32, #tpu.memory_space<vmem>>, %arg8: memref<5200xi32, #tpu.memory_space<vmem>>, %arg9: memref<208x128xf32, #tpu.memory_space<vmem>>, %arg10: memref<192x128xf32, #tpu.memory_space<vmem>>, %arg11: memref<10240xf32, #tpu.memory_space<vmem>>, %arg12: memref<!tpu.dma_semaphore, #tpu.memory_space<semaphore_mem>>, %arg13: memref<!tpu.dma_semaphore, #tpu.memory_space<semaphore_mem>>, %arg14: memref<!tpu.dma_semaphore, #tpu.memory_space<semaphore_mem>>, %arg15: memref<!tpu.dma_semaphore, #tpu.memory_space<semaphore_mem>>) attributes {dimension_semantics = [#tpu.dimension_semantics<core_parallel>, #tpu.dimension_semantics<subcore_parallel>], iteration_bounds = array<i64: 2, 16>, scalar_prefetch = 0 : i64, scratch_operands = 9 : i64, tpu.core_type = #tpu.core_type<sc_vector_subcore>, window_params = [{transform_indices = #map}, {transform_indices = #map1}, {transform_indices = #map1}, {transform_indices = #map}, {transform_indices = #map1}]} {
    %mul3A = arith.constant 2 : i32
    %mul3A_0 = arith.muli %arg1, %mul3A : i32
    %add3A = arith.addi %mul3A_0, %arg0 : i32
    %mul3A_1 = arith.constant 5200 : i32
    %mul3A_2 = arith.muli %add3A, %mul3A_1 : i32
    %broadcast_in_dim3A = arith.constant 0.000000e+00 : f32
    %broadcast_in_dim3A_3 = vector.broadcast %broadcast_in_dim3A : f32 to vector<16xf32>
    %broadcast_in_dim3A_4 = arith.constant 1.000000e+00 : f32
    %broadcast_in_dim3A_5 = vector.broadcast %broadcast_in_dim3A_4 : f32 to vector<16xf32>
    %add3A_6 = arith.constant 153600 : i32
    %add3A_7 = arith.addi %add3A_6, %mul3A_2 : i32
    %dma_start3A = tpu.memref_slice %arg3[%add3A_7] : memref<320000xi32, #tpu.memory_space<hbm>> -> memref<5200xi32, #tpu.memory_space<hbm>>
    %dma_start3A_8 = tpu.memref_slice %arg3[%add3A_7] : memref<320000xi32, #tpu.memory_space<hbm>> -> memref<5200xi32, #tpu.memory_space<hbm>>
    tpu.enqueue_dma source(%dma_start3A_8 : memref<5200xi32, #tpu.memory_space<hbm>>) target(%arg7 : memref<5200xi32, #tpu.memory_space<vmem>>) target_semaphore(%arg12 : memref<!tpu.dma_semaphore, #tpu.memory_space<semaphore_mem>>)
    %add3A_9 = arith.constant 153600 : i32
    %add3A_10 = arith.addi %add3A_9, %mul3A_2 : i32
    %dma_start3A_11 = tpu.memref_slice %arg4[%add3A_10] : memref<320000xi32, #tpu.memory_space<hbm>> -> memref<5200xi32, #tpu.memory_space<hbm>>
    %dma_start3A_12 = tpu.memref_slice %arg4[%add3A_10] : memref<320000xi32, #tpu.memory_space<hbm>> -> memref<5200xi32, #tpu.memory_space<hbm>>
    tpu.enqueue_dma source(%dma_start3A_12 : memref<5200xi32, #tpu.memory_space<hbm>>) target(%arg8 : memref<5200xi32, #tpu.memory_space<vmem>>) target_semaphore(%arg12 : memref<!tpu.dma_semaphore, #tpu.memory_space<semaphore_mem>>)
    %scan3A = arith.constant 0 : i32
    %scan3A_13 = arith.constant 0 : i32
    %scan3A_14 = arith.constant 640 : i32
    %scan3A_15 = arith.addi %scan3A_13, %scan3A_14 : i32
    %scan3A_16 = arith.constant 1 : i32
    scf.for %scan3A_51 = %scan3A_13 to %scan3A_15 step %scan3A_16  : i32 {
      %mul3A_52 = arith.constant 16 : i32
      %mul3A_53 = arith.muli %scan3A_51, %mul3A_52 : i32
      %swap3A = arith.index_cast %mul3A_53 : i32 to index
      %swap3A_54 = tpu.vector_load %arg11[%swap3A] {strides = array<i32>} : memref<10240xf32, #tpu.memory_space<vmem>>, vector<16xf32>,
      tpu.vector_store %arg11[%swap3A], %broadcast_in_dim3A_3 {strides = array<i32>} : memref<10240xf32, #tpu.memory_space<vmem>>, vector<16xf32>,
    }
    %scan3A_17 = arith.constant 640 : i32
    %dma_wait3A = tpu.memref_slice %arg3[%add3A_7] : memref<320000xi32, #tpu.memory_space<hbm>> -> memref<5200xi32, #tpu.memory_space<hbm>>
    %dma_wait3A_18 = tpu.memref_slice %arg3[%add3A_7] : memref<320000xi32, #tpu.memory_space<hbm>> -> memref<5200xi32, #tpu.memory_space<hbm>>
    tpu.wait_dma2 semaphore(%arg12 : memref<!tpu.dma_semaphore, #tpu.memory_space<semaphore_mem>>) src(%dma_wait3A_18 : memref<5200xi32, #tpu.memory_space<hbm>>) dst(%arg7 : memref<5200xi32, #tpu.memory_space<vmem>>)
    %dma_wait3A_19 = tpu.memref_slice %arg4[%add3A_10] : memref<320000xi32, #tpu.memory_space<hbm>> -> memref<5200xi32, #tpu.memory_space<hbm>>
    %dma_wait3A_20 = tpu.memref_slice %arg4[%add3A_10] : memref<320000xi32, #tpu.memory_space<hbm>> -> memref<5200xi32, #tpu.memory_space<hbm>>
    tpu.wait_dma2 semaphore(%arg12 : memref<!tpu.dma_semaphore, #tpu.memory_space<semaphore_mem>>) src(%dma_wait3A_20 : memref<5200xi32, #tpu.memory_space<hbm>>) dst(%arg8 : memref<5200xi32, #tpu.memory_space<vmem>>)
    %scan3A_21 = arith.constant 0 : i32
    %scan3A_22 = arith.constant 0 : i32
    %scan3A_23 = arith.constant 13 : i32
    %scan3A_24 = arith.addi %scan3A_22, %scan3A_23 : i32
    %scan3A_25 = arith.constant 1 : i32
    scf.for %scan3A_51 = %scan3A_22 to %scan3A_24 step %scan3A_25  : i32 {
      %mul3A_52 = arith.constant 400 : i32
      %mul3A_53 = arith.muli %scan3A_51, %mul3A_52 : i32
      %add3A_54 = arith.addi %mul3A_2, %mul3A_53 : i32
      %add3A_55 = arith.constant 0 : i32
      %add3A_56 = arith.addi %add3A_54, %add3A_55 : i32
      %gt3A = arith.constant 0 : i32
      %gt3A_57 = arith.cmpi sgt, %scan3A_51, %gt3A : i32
      %convert_element_type3A = arith.extui %gt3A_57 : i1 to i32
      %cond3A = arith.constant 0 : i32
      %cond3A_58 = arith.cmpi ne, %convert_element_type3A, %cond3A : i32
      scf.if %cond3A_58 {
        %sub3A_94 = arith.constant 208 : i32
        %sub3A_95 = arith.subi %add3A_56, %sub3A_94 : i32
        %sub3A_96 = arith.constant 192 : i32
        %sub3A_97 = arith.subi %sub3A_95, %sub3A_96 : i32
        %dma_wait3A_98 = arith.constant 0 : i32
        %dma_wait3A_99 = tpu.memref_slice %arg5[%sub3A_97, %dma_wait3A_98] : memref<166400x128xf32, #tpu.memory_space<hbm>> -> memref<208x128xf32, #tpu.memory_space<hbm>>
        %dma_wait3A_100 = arith.constant 0 : i32
        %dma_wait3A_101 = tpu.memref_slice %arg5[%sub3A_97, %dma_wait3A_100] : memref<166400x128xf32, #tpu.memory_space<hbm>> -> memref<208x128xf32, #tpu.memory_space<hbm>>
        tpu.wait_dma2 semaphore(%arg14 : memref<!tpu.dma_semaphore, #tpu.memory_space<semaphore_mem>>) src(%arg9 : memref<208x128xf32, #tpu.memory_space<vmem>>) dst(%dma_wait3A_101 : memref<208x128xf32, #tpu.memory_space<hbm>>)
      } else {
      }
      %sub3A = arith.subi %add3A_56, %mul3A_2 : i32
      %dma_start3A_59 = tpu.memref_slice %arg7[%sub3A] : memref<5200xi32, #tpu.memory_space<vmem>> -> memref<208xi32, #tpu.memory_space<vmem>>
      %dma_start3A_60 = arith.constant 0 : i32
      %dma_start3A_61 = arith.constant 0 : i32
      %dma_start3A_62 = tpu.memref_slice %arg2[%dma_start3A_60, %dma_start3A_61] : memref<10000x128xf32, #tpu.memory_space<hbm>> -> memref<10000x128xf32, #tpu.memory_space<hbm>>
      tpu.enqueue_indirect_dma source(%dma_start3A_62 : memref<10000x128xf32, #tpu.memory_space<hbm>>) target(%arg9 : memref<208x128xf32, #tpu.memory_space<vmem>>) offsets(%dma_start3A_59 : memref<208xi32, #tpu.memory_space<vmem>>) semaphore(%arg13 : memref<!tpu.dma_semaphore, #tpu.memory_space<semaphore_mem>>)
      %dma_wait3A_63 = tpu.memref_slice %arg7[%sub3A] : memref<5200xi32, #tpu.memory_space<vmem>> -> memref<208xi32, #tpu.memory_space<vmem>>
      %dma_wait3A_64 = arith.constant 0 : i32
      %dma_wait3A_65 = arith.constant 0 : i32
      %dma_wait3A_66 = tpu.memref_slice %arg2[%dma_wait3A_64, %dma_wait3A_65] : memref<10000x128xf32, #tpu.memory_space<hbm>> -> memref<10000x128xf32, #tpu.memory_space<hbm>>
      tpu.wait_indirect_dma semaphore(%arg13 : memref<!tpu.dma_semaphore, #tpu.memory_space<semaphore_mem>>) src(%dma_wait3A_66 : memref<10000x128xf32, #tpu.memory_space<hbm>>) dst(%arg9 : memref<208x128xf32, #tpu.memory_space<vmem>>)
      %dma_start3A_67 = arith.constant 0 : i32
      %dma_start3A_68 = tpu.memref_slice %arg5[%add3A_56, %dma_start3A_67] : memref<166400x128xf32, #tpu.memory_space<hbm>> -> memref<208x128xf32, #tpu.memory_space<hbm>>
      %dma_start3A_69 = arith.constant 0 : i32
      %dma_start3A_70 = tpu.memref_slice %arg5[%add3A_56, %dma_start3A_69] : memref<166400x128xf32, #tpu.memory_space<hbm>> -> memref<208x128xf32, #tpu.memory_space<hbm>>
      tpu.enqueue_dma source(%arg9 : memref<208x128xf32, #tpu.memory_space<vmem>>) target(%dma_start3A_70 : memref<208x128xf32, #tpu.memory_space<hbm>>) target_semaphore(%arg14 : memref<!tpu.dma_semaphore, #tpu.memory_space<semaphore_mem>>)
      %mul3A_71 = arith.constant 400 : i32
      %mul3A_72 = arith.muli %scan3A_51, %mul3A_71 : i32
      %add3A_73 = arith.addi %mul3A_2, %mul3A_72 : i32
      %add3A_74 = arith.constant 208 : i32
      %add3A_75 = arith.addi %add3A_73, %add3A_74 : i32
      %gt3A_76 = arith.constant 0 : i32
      %gt3A_77 = arith.cmpi sgt, %scan3A_51, %gt3A_76 : i32
      %convert_element_type3A_78 = arith.extui %gt3A_77 : i1 to i32
      %cond3A_79 = arith.constant 0 : i32
      %cond3A_80 = arith.cmpi ne, %convert_element_type3A_78, %cond3A_79 : i32
      scf.if %cond3A_80 {
        %sub3A_94 = arith.constant 208 : i32
        %sub3A_95 = arith.subi %add3A_75, %sub3A_94 : i32
        %sub3A_96 = arith.constant 192 : i32
        %sub3A_97 = arith.subi %sub3A_95, %sub3A_96 : i32
        %dma_wait3A_98 = arith.constant 0 : i32
        %dma_wait3A_99 = tpu.memref_slice %arg5[%sub3A_97, %dma_wait3A_98] : memref<166400x128xf32, #tpu.memory_space<hbm>> -> memref<192x128xf32, #tpu.memory_space<hbm>>
        %dma_wait3A_100 = arith.constant 0 : i32
        %dma_wait3A_101 = tpu.memref_slice %arg5[%sub3A_97, %dma_wait3A_100] : memref<166400x128xf32, #tpu.memory_space<hbm>> -> memref<192x128xf32, #tpu.memory_space<hbm>>
        tpu.wait_dma2 semaphore(%arg15 : memref<!tpu.dma_semaphore, #tpu.memory_space<semaphore_mem>>) src(%arg10 : memref<192x128xf32, #tpu.memory_space<vmem>>) dst(%dma_wait3A_101 : memref<192x128xf32, #tpu.memory_space<hbm>>)
      } else {
      }
      %sub3A_81 = arith.subi %add3A_75, %mul3A_2 : i32
      %dma_start3A_82 = tpu.memref_slice %arg7[%sub3A_81] : memref<5200xi32, #tpu.memory_space<vmem>> -> memref<192xi32, #tpu.memory_space<vmem>>
      %dma_start3A_83 = arith.constant 0 : i32
      %dma_start3A_84 = arith.constant 0 : i32
      %dma_start3A_85 = tpu.memref_slice %arg2[%dma_start3A_83, %dma_start3A_84] : memref<10000x128xf32, #tpu.memory_space<hbm>> -> memref<10000x128xf32, #tpu.memory_space<hbm>>
      tpu.enqueue_indirect_dma source(%dma_start3A_85 : memref<10000x128xf32, #tpu.memory_space<hbm>>) target(%arg10 : memref<192x128xf32, #tpu.memory_space<vmem>>) offsets(%dma_start3A_82 : memref<192xi32, #tpu.memory_space<vmem>>) semaphore(%arg13 : memref<!tpu.dma_semaphore, #tpu.memory_space<semaphore_mem>>)
      %dma_wait3A_86 = tpu.memref_slice %arg7[%sub3A_81] : memref<5200xi32, #tpu.memory_space<vmem>> -> memref<192xi32, #tpu.memory_space<vmem>>
      %dma_wait3A_87 = arith.constant 0 : i32
      %dma_wait3A_88 = arith.constant 0 : i32
      %dma_wait3A_89 = tpu.memref_slice %arg2[%dma_wait3A_87, %dma_wait3A_88] : memref<10000x128xf32, #tpu.memory_space<hbm>> -> memref<10000x128xf32, #tpu.memory_space<hbm>>
      tpu.wait_indirect_dma semaphore(%arg13 : memref<!tpu.dma_semaphore, #tpu.memory_space<semaphore_mem>>) src(%dma_wait3A_89 : memref<10000x128xf32, #tpu.memory_space<hbm>>) dst(%arg10 : memref<192x128xf32, #tpu.memory_space<vmem>>)
      %dma_start3A_90 = arith.constant 0 : i32
      %dma_start3A_91 = tpu.memref_slice %arg5[%add3A_75, %dma_start3A_90] : memref<166400x128xf32, #tpu.memory_space<hbm>> -> memref<192x128xf32, #tpu.memory_space<hbm>>
      %dma_start3A_92 = arith.constant 0 : i32
      %dma_start3A_93 = tpu.memref_slice %arg5[%add3A_75, %dma_start3A_92] : memref<166400x128xf32, #tpu.memory_space<hbm>> -> memref<192x128xf32, #tpu.memory_space<hbm>>
      tpu.enqueue_dma source(%arg10 : memref<192x128xf32, #tpu.memory_space<vmem>>) target(%dma_start3A_93 : memref<192x128xf32, #tpu.memory_space<hbm>>) target_semaphore(%arg15 : memref<!tpu.dma_semaphore, #tpu.memory_space<semaphore_mem>>)
    }
    %scan3A_26 = arith.constant 13 : i32
    %add3A_27 = arith.constant 4800 : i32
    %add3A_28 = arith.addi %mul3A_2, %add3A_27 : i32
    %add3A_29 = arith.constant 0 : i32
    %add3A_30 = arith.addi %add3A_28, %add3A_29 : i32
    %dma_wait3A_31 = arith.constant 0 : i32
    %dma_wait3A_32 = tpu.memref_slice %arg5[%add3A_30, %dma_wait3A_31] : memref<166400x128xf32, #tpu.memory_space<hbm>> -> memref<208x128xf32, #tpu.memory_space<hbm>>
    %dma_wait3A_33 = arith.constant 0 : i32
    %dma_wait3A_34 = tpu.memref_slice %arg5[%add3A_30, %dma_wait3A_33] : memref<166400x128xf32, #tpu.memory_space<hbm>> -> memref<208x128xf32, #tpu.memory_space<hbm>>
    tpu.wait_dma2 semaphore(%arg14 : memref<!tpu.dma_semaphore, #tpu.memory_space<semaphore_mem>>) src(%arg9 : memref<208x128xf32, #tpu.memory_space<vmem>>) dst(%dma_wait3A_34 : memref<208x128xf32, #tpu.memory_space<hbm>>)
    %add3A_35 = arith.constant 4800 : i32
    %add3A_36 = arith.addi %mul3A_2, %add3A_35 : i32
    %add3A_37 = arith.constant 208 : i32
    %add3A_38 = arith.addi %add3A_36, %add3A_37 : i32
    %dma_wait3A_39 = arith.constant 0 : i32
    %dma_wait3A_40 = tpu.memref_slice %arg5[%add3A_38, %dma_wait3A_39] : memref<166400x128xf32, #tpu.memory_space<hbm>> -> memref<192x128xf32, #tpu.memory_space<hbm>>
    %dma_wait3A_41 = arith.constant 0 : i32
    %dma_wait3A_42 = tpu.memref_slice %arg5[%add3A_38, %dma_wait3A_41] : memref<166400x128xf32, #tpu.memory_space<hbm>> -> memref<192x128xf32, #tpu.memory_space<hbm>>
    tpu.wait_dma2 semaphore(%arg15 : memref<!tpu.dma_semaphore, #tpu.memory_space<semaphore_mem>>) src(%arg10 : memref<192x128xf32, #tpu.memory_space<vmem>>) dst(%dma_wait3A_42 : memref<192x128xf32, #tpu.memory_space<hbm>>)
    %scan3A_43 = arith.constant 0 : i32
    %scan3A_44 = arith.constant 0 : i32
    %scan3A_45 = arith.constant 325 : i32
    %scan3A_46 = arith.addi %scan3A_44, %scan3A_45 : i32
    %scan3A_47 = arith.constant 1 : i32
    scf.for %scan3A_51 = %scan3A_44 to %scan3A_46 step %scan3A_47  : i32 {
      %mul3A_52 = arith.constant 16 : i32
      %mul3A_53 = arith.muli %scan3A_51, %mul3A_52 : i32
      %get3A = arith.index_cast %mul3A_53 : i32 to index
      %get3A_54 = tpu.vector_load %arg8[%get3A] {strides = array<i32>} : memref<5200xi32, #tpu.memory_space<vmem>>, vector<16xi32>,
      tpu.vector_store_idx %arg11[%get3A_54], %broadcast_in_dim3A_5 {add = true} : memref<10240xf32, #tpu.memory_space<vmem>>[vector<16xi32>], vector<16xf32>,
    }
    %scan3A_48 = arith.constant 325 : i32
    %mul3A_49 = arith.constant 10240 : i32
    %mul3A_50 = arith.muli %add3A, %mul3A_49 : i32
    "tpu.region"() ({
      %run_scoped3A = tpu.sem_alloc : memref<!tpu.dma_semaphore, #tpu.memory_space<semaphore_mem>>
      %dma_start3A_51 = tpu.memref_slice %arg6[%mul3A_50] : memref<327680xf32, #tpu.memory_space<hbm>> -> memref<10240xf32, #tpu.memory_space<hbm>>
      %dma_start3A_52 = tpu.memref_slice %arg6[%mul3A_50] : memref<327680xf32, #tpu.memory_space<hbm>> -> memref<10240xf32, #tpu.memory_space<hbm>>
      tpu.enqueue_dma source(%arg11 : memref<10240xf32, #tpu.memory_space<vmem>>) target(%dma_start3A_52 : memref<10240xf32, #tpu.memory_space<hbm>>) target_semaphore(%run_scoped3A : memref<!tpu.dma_semaphore, #tpu.memory_space<semaphore_mem>>)
      %dma_wait3A_53 = tpu.memref_slice %arg6[%mul3A_50] : memref<327680xf32, #tpu.memory_space<hbm>> -> memref<10240xf32, #tpu.memory_space<hbm>>
      %dma_wait3A_54 = tpu.memref_slice %arg6[%mul3A_50] : memref<327680xf32, #tpu.memory_space<hbm>> -> memref<10240xf32, #tpu.memory_space<hbm>>
      tpu.wait_dma2 semaphore(%run_scoped3A : memref<!tpu.dma_semaphore, #tpu.memory_space<semaphore_mem>>) src(%arg11 : memref<10240xf32, #tpu.memory_space<vmem>>) dst(%dma_wait3A_54 : memref<10240xf32, #tpu.memory_space<hbm>>)
      tpu.yield
    }) : () -> ()
    return
  }
}

#map = affine_map<(d0, d1) -> (0, 0)>
#map1 = affine_map<(d0, d1) -> (0)>
module attributes {stable_mosaic.version = 14 : i64} {
  func.func @k(%arg0: i32, %arg1: i32, %arg2: memref<10000x128xf32, #tpu.memory_space<hbm>>, %arg3: memref<320000xi32, #tpu.memory_space<hbm>>, %arg4: memref<320000xi32, #tpu.memory_space<hbm>>, %arg5: memref<153600x128xf32, #tpu.memory_space<hbm>>, %arg6: memref<327680xf32, #tpu.memory_space<hbm>>, %arg7: memref<4800xi32, #tpu.memory_space<vmem>>, %arg8: memref<4800xi32, #tpu.memory_space<vmem>>, %arg9: memref<208x128xf32, #tpu.memory_space<vmem>>, %arg10: memref<192x128xf32, #tpu.memory_space<vmem>>, %arg11: memref<10240xf32, #tpu.memory_space<vmem>>, %arg12: memref<!tpu.dma_semaphore, #tpu.memory_space<semaphore_mem>>, %arg13: memref<!tpu.dma_semaphore, #tpu.memory_space<semaphore_mem>>, %arg14: memref<!tpu.dma_semaphore, #tpu.memory_space<semaphore_mem>>, %arg15: memref<!tpu.dma_semaphore, #tpu.memory_space<semaphore_mem>>) attributes {dimension_semantics = [#tpu.dimension_semantics<core_parallel>, #tpu.dimension_semantics<subcore_parallel>], iteration_bounds = array<i64: 2, 16>, scalar_prefetch = 0 : i64, scratch_operands = 9 : i64, tpu.core_type = #tpu.core_type<sc_vector_subcore>, window_params = [{transform_indices = #map}, {transform_indices = #map1}, {transform_indices = #map1}, {transform_indices = #map}, {transform_indices = #map1}]} {
    %mul3A = arith.constant 2 : i32
    %mul3A_0 = arith.muli %arg1, %mul3A : i32
    %add3A = arith.addi %mul3A_0, %arg0 : i32
    %mul3A_1 = arith.constant 4800 : i32
    %mul3A_2 = arith.muli %add3A, %mul3A_1 : i32
    %broadcast_in_dim3A = arith.constant 0.000000e+00 : f32
    %broadcast_in_dim3A_3 = vector.broadcast %broadcast_in_dim3A : f32 to vector<16xf32>
    %broadcast_in_dim3A_4 = arith.constant 1.000000e+00 : f32
    %broadcast_in_dim3A_5 = vector.broadcast %broadcast_in_dim3A_4 : f32 to vector<16xf32>
    %add3A_6 = arith.constant 0 : i32
    %add3A_7 = arith.addi %add3A_6, %mul3A_2 : i32
    %dma_start3A = tpu.memref_slice %arg3[%add3A_7] : memref<320000xi32, #tpu.memory_space<hbm>> -> memref<4800xi32, #tpu.memory_space<hbm>>
    %dma_start3A_8 = tpu.memref_slice %arg3[%add3A_7] : memref<320000xi32, #tpu.memory_space<hbm>> -> memref<4800xi32, #tpu.memory_space<hbm>>
    tpu.enqueue_dma source(%dma_start3A_8 : memref<4800xi32, #tpu.memory_space<hbm>>) target(%arg7 : memref<4800xi32, #tpu.memory_space<vmem>>) target_semaphore(%arg12 : memref<!tpu.dma_semaphore, #tpu.memory_space<semaphore_mem>>)
    %add3A_9 = arith.constant 0 : i32
    %add3A_10 = arith.addi %add3A_9, %mul3A_2 : i32
    %dma_start3A_11 = tpu.memref_slice %arg4[%add3A_10] : memref<320000xi32, #tpu.memory_space<hbm>> -> memref<4800xi32, #tpu.memory_space<hbm>>
    %dma_start3A_12 = tpu.memref_slice %arg4[%add3A_10] : memref<320000xi32, #tpu.memory_space<hbm>> -> memref<4800xi32, #tpu.memory_space<hbm>>
    tpu.enqueue_dma source(%dma_start3A_12 : memref<4800xi32, #tpu.memory_space<hbm>>) target(%arg8 : memref<4800xi32, #tpu.memory_space<vmem>>) target_semaphore(%arg12 : memref<!tpu.dma_semaphore, #tpu.memory_space<semaphore_mem>>)
    %scan3A = arith.constant 0 : i32
    %scan3A_13 = arith.constant 0 : i32
    %scan3A_14 = arith.constant 640 : i32
    %scan3A_15 = arith.addi %scan3A_13, %scan3A_14 : i32
    %scan3A_16 = arith.constant 1 : i32
    scf.for %scan3A_51 = %scan3A_13 to %scan3A_15 step %scan3A_16  : i32 {
      %mul3A_52 = arith.constant 16 : i32
      %mul3A_53 = arith.muli %scan3A_51, %mul3A_52 : i32
      %swap3A = arith.index_cast %mul3A_53 : i32 to index
      %swap3A_54 = tpu.vector_load %arg11[%swap3A] {strides = array<i32>} : memref<10240xf32, #tpu.memory_space<vmem>>, vector<16xf32>,
      tpu.vector_store %arg11[%swap3A], %broadcast_in_dim3A_3 {strides = array<i32>} : memref<10240xf32, #tpu.memory_space<vmem>>, vector<16xf32>,
    }
    %scan3A_17 = arith.constant 640 : i32
    %dma_wait3A = tpu.memref_slice %arg3[%add3A_7] : memref<320000xi32, #tpu.memory_space<hbm>> -> memref<4800xi32, #tpu.memory_space<hbm>>
    %dma_wait3A_18 = tpu.memref_slice %arg3[%add3A_7] : memref<320000xi32, #tpu.memory_space<hbm>> -> memref<4800xi32, #tpu.memory_space<hbm>>
    tpu.wait_dma2 semaphore(%arg12 : memref<!tpu.dma_semaphore, #tpu.memory_space<semaphore_mem>>) src(%dma_wait3A_18 : memref<4800xi32, #tpu.memory_space<hbm>>) dst(%arg7 : memref<4800xi32, #tpu.memory_space<vmem>>)
    %dma_wait3A_19 = tpu.memref_slice %arg4[%add3A_10] : memref<320000xi32, #tpu.memory_space<hbm>> -> memref<4800xi32, #tpu.memory_space<hbm>>
    %dma_wait3A_20 = tpu.memref_slice %arg4[%add3A_10] : memref<320000xi32, #tpu.memory_space<hbm>> -> memref<4800xi32, #tpu.memory_space<hbm>>
    tpu.wait_dma2 semaphore(%arg12 : memref<!tpu.dma_semaphore, #tpu.memory_space<semaphore_mem>>) src(%dma_wait3A_20 : memref<4800xi32, #tpu.memory_space<hbm>>) dst(%arg8 : memref<4800xi32, #tpu.memory_space<vmem>>)
    %scan3A_21 = arith.constant 0 : i32
    %scan3A_22 = arith.constant 0 : i32
    %scan3A_23 = arith.constant 12 : i32
    %scan3A_24 = arith.addi %scan3A_22, %scan3A_23 : i32
    %scan3A_25 = arith.constant 1 : i32
    scf.for %scan3A_51 = %scan3A_22 to %scan3A_24 step %scan3A_25  : i32 {
      %mul3A_52 = arith.constant 400 : i32
      %mul3A_53 = arith.muli %scan3A_51, %mul3A_52 : i32
      %add3A_54 = arith.addi %mul3A_2, %mul3A_53 : i32
      %add3A_55 = arith.constant 0 : i32
      %add3A_56 = arith.addi %add3A_54, %add3A_55 : i32
      %gt3A = arith.constant 0 : i32
      %gt3A_57 = arith.cmpi sgt, %scan3A_51, %gt3A : i32
      %convert_element_type3A = arith.extui %gt3A_57 : i1 to i32
      %cond3A = arith.constant 0 : i32
      %cond3A_58 = arith.cmpi ne, %convert_element_type3A, %cond3A : i32
      scf.if %cond3A_58 {
        %sub3A_94 = arith.constant 208 : i32
        %sub3A_95 = arith.subi %add3A_56, %sub3A_94 : i32
        %sub3A_96 = arith.constant 192 : i32
        %sub3A_97 = arith.subi %sub3A_95, %sub3A_96 : i32
        %dma_wait3A_98 = arith.constant 0 : i32
        %dma_wait3A_99 = tpu.memref_slice %arg5[%sub3A_97, %dma_wait3A_98] : memref<153600x128xf32, #tpu.memory_space<hbm>> -> memref<208x128xf32, #tpu.memory_space<hbm>>
        %dma_wait3A_100 = arith.constant 0 : i32
        %dma_wait3A_101 = tpu.memref_slice %arg5[%sub3A_97, %dma_wait3A_100] : memref<153600x128xf32, #tpu.memory_space<hbm>> -> memref<208x128xf32, #tpu.memory_space<hbm>>
        tpu.wait_dma2 semaphore(%arg14 : memref<!tpu.dma_semaphore, #tpu.memory_space<semaphore_mem>>) src(%arg9 : memref<208x128xf32, #tpu.memory_space<vmem>>) dst(%dma_wait3A_101 : memref<208x128xf32, #tpu.memory_space<hbm>>)
      } else {
      }
      %sub3A = arith.subi %add3A_56, %mul3A_2 : i32
      %dma_start3A_59 = tpu.memref_slice %arg7[%sub3A] : memref<4800xi32, #tpu.memory_space<vmem>> -> memref<208xi32, #tpu.memory_space<vmem>>
      %dma_start3A_60 = arith.constant 0 : i32
      %dma_start3A_61 = arith.constant 0 : i32
      %dma_start3A_62 = tpu.memref_slice %arg2[%dma_start3A_60, %dma_start3A_61] : memref<10000x128xf32, #tpu.memory_space<hbm>> -> memref<10000x128xf32, #tpu.memory_space<hbm>>
      tpu.enqueue_indirect_dma source(%dma_start3A_62 : memref<10000x128xf32, #tpu.memory_space<hbm>>) target(%arg9 : memref<208x128xf32, #tpu.memory_space<vmem>>) offsets(%dma_start3A_59 : memref<208xi32, #tpu.memory_space<vmem>>) semaphore(%arg13 : memref<!tpu.dma_semaphore, #tpu.memory_space<semaphore_mem>>)
      %dma_wait3A_63 = tpu.memref_slice %arg7[%sub3A] : memref<4800xi32, #tpu.memory_space<vmem>> -> memref<208xi32, #tpu.memory_space<vmem>>
      %dma_wait3A_64 = arith.constant 0 : i32
      %dma_wait3A_65 = arith.constant 0 : i32
      %dma_wait3A_66 = tpu.memref_slice %arg2[%dma_wait3A_64, %dma_wait3A_65] : memref<10000x128xf32, #tpu.memory_space<hbm>> -> memref<10000x128xf32, #tpu.memory_space<hbm>>
      tpu.wait_indirect_dma semaphore(%arg13 : memref<!tpu.dma_semaphore, #tpu.memory_space<semaphore_mem>>) src(%dma_wait3A_66 : memref<10000x128xf32, #tpu.memory_space<hbm>>) dst(%arg9 : memref<208x128xf32, #tpu.memory_space<vmem>>)
      %dma_start3A_67 = arith.constant 0 : i32
      %dma_start3A_68 = tpu.memref_slice %arg5[%add3A_56, %dma_start3A_67] : memref<153600x128xf32, #tpu.memory_space<hbm>> -> memref<208x128xf32, #tpu.memory_space<hbm>>
      %dma_start3A_69 = arith.constant 0 : i32
      %dma_start3A_70 = tpu.memref_slice %arg5[%add3A_56, %dma_start3A_69] : memref<153600x128xf32, #tpu.memory_space<hbm>> -> memref<208x128xf32, #tpu.memory_space<hbm>>
      tpu.enqueue_dma source(%arg9 : memref<208x128xf32, #tpu.memory_space<vmem>>) target(%dma_start3A_70 : memref<208x128xf32, #tpu.memory_space<hbm>>) target_semaphore(%arg14 : memref<!tpu.dma_semaphore, #tpu.memory_space<semaphore_mem>>)
      %mul3A_71 = arith.constant 400 : i32
      %mul3A_72 = arith.muli %scan3A_51, %mul3A_71 : i32
      %add3A_73 = arith.addi %mul3A_2, %mul3A_72 : i32
      %add3A_74 = arith.constant 208 : i32
      %add3A_75 = arith.addi %add3A_73, %add3A_74 : i32
      %gt3A_76 = arith.constant 0 : i32
      %gt3A_77 = arith.cmpi sgt, %scan3A_51, %gt3A_76 : i32
      %convert_element_type3A_78 = arith.extui %gt3A_77 : i1 to i32
      %cond3A_79 = arith.constant 0 : i32
      %cond3A_80 = arith.cmpi ne, %convert_element_type3A_78, %cond3A_79 : i32
      scf.if %cond3A_80 {
        %sub3A_94 = arith.constant 208 : i32
        %sub3A_95 = arith.subi %add3A_75, %sub3A_94 : i32
        %sub3A_96 = arith.constant 192 : i32
        %sub3A_97 = arith.subi %sub3A_95, %sub3A_96 : i32
        %dma_wait3A_98 = arith.constant 0 : i32
        %dma_wait3A_99 = tpu.memref_slice %arg5[%sub3A_97, %dma_wait3A_98] : memref<153600x128xf32, #tpu.memory_space<hbm>> -> memref<192x128xf32, #tpu.memory_space<hbm>>
        %dma_wait3A_100 = arith.constant 0 : i32
        %dma_wait3A_101 = tpu.memref_slice %arg5[%sub3A_97, %dma_wait3A_100] : memref<153600x128xf32, #tpu.memory_space<hbm>> -> memref<192x128xf32, #tpu.memory_space<hbm>>
        tpu.wait_dma2 semaphore(%arg15 : memref<!tpu.dma_semaphore, #tpu.memory_space<semaphore_mem>>) src(%arg10 : memref<192x128xf32, #tpu.memory_space<vmem>>) dst(%dma_wait3A_101 : memref<192x128xf32, #tpu.memory_space<hbm>>)
      } else {
      }
      %sub3A_81 = arith.subi %add3A_75, %mul3A_2 : i32
      %dma_start3A_82 = tpu.memref_slice %arg7[%sub3A_81] : memref<4800xi32, #tpu.memory_space<vmem>> -> memref<192xi32, #tpu.memory_space<vmem>>
      %dma_start3A_83 = arith.constant 0 : i32
      %dma_start3A_84 = arith.constant 0 : i32
      %dma_start3A_85 = tpu.memref_slice %arg2[%dma_start3A_83, %dma_start3A_84] : memref<10000x128xf32, #tpu.memory_space<hbm>> -> memref<10000x128xf32, #tpu.memory_space<hbm>>
      tpu.enqueue_indirect_dma source(%dma_start3A_85 : memref<10000x128xf32, #tpu.memory_space<hbm>>) target(%arg10 : memref<192x128xf32, #tpu.memory_space<vmem>>) offsets(%dma_start3A_82 : memref<192xi32, #tpu.memory_space<vmem>>) semaphore(%arg13 : memref<!tpu.dma_semaphore, #tpu.memory_space<semaphore_mem>>)
      %dma_wait3A_86 = tpu.memref_slice %arg7[%sub3A_81] : memref<4800xi32, #tpu.memory_space<vmem>> -> memref<192xi32, #tpu.memory_space<vmem>>
      %dma_wait3A_87 = arith.constant 0 : i32
      %dma_wait3A_88 = arith.constant 0 : i32
      %dma_wait3A_89 = tpu.memref_slice %arg2[%dma_wait3A_87, %dma_wait3A_88] : memref<10000x128xf32, #tpu.memory_space<hbm>> -> memref<10000x128xf32, #tpu.memory_space<hbm>>
      tpu.wait_indirect_dma semaphore(%arg13 : memref<!tpu.dma_semaphore, #tpu.memory_space<semaphore_mem>>) src(%dma_wait3A_89 : memref<10000x128xf32, #tpu.memory_space<hbm>>) dst(%arg10 : memref<192x128xf32, #tpu.memory_space<vmem>>)
      %dma_start3A_90 = arith.constant 0 : i32
      %dma_start3A_91 = tpu.memref_slice %arg5[%add3A_75, %dma_start3A_90] : memref<153600x128xf32, #tpu.memory_space<hbm>> -> memref<192x128xf32, #tpu.memory_space<hbm>>
      %dma_start3A_92 = arith.constant 0 : i32
      %dma_start3A_93 = tpu.memref_slice %arg5[%add3A_75, %dma_start3A_92] : memref<153600x128xf32, #tpu.memory_space<hbm>> -> memref<192x128xf32, #tpu.memory_space<hbm>>
      tpu.enqueue_dma source(%arg10 : memref<192x128xf32, #tpu.memory_space<vmem>>) target(%dma_start3A_93 : memref<192x128xf32, #tpu.memory_space<hbm>>) target_semaphore(%arg15 : memref<!tpu.dma_semaphore, #tpu.memory_space<semaphore_mem>>)
    }
    %scan3A_26 = arith.constant 12 : i32
    %add3A_27 = arith.constant 4400 : i32
    %add3A_28 = arith.addi %mul3A_2, %add3A_27 : i32
    %add3A_29 = arith.constant 0 : i32
    %add3A_30 = arith.addi %add3A_28, %add3A_29 : i32
    %dma_wait3A_31 = arith.constant 0 : i32
    %dma_wait3A_32 = tpu.memref_slice %arg5[%add3A_30, %dma_wait3A_31] : memref<153600x128xf32, #tpu.memory_space<hbm>> -> memref<208x128xf32, #tpu.memory_space<hbm>>
    %dma_wait3A_33 = arith.constant 0 : i32
    %dma_wait3A_34 = tpu.memref_slice %arg5[%add3A_30, %dma_wait3A_33] : memref<153600x128xf32, #tpu.memory_space<hbm>> -> memref<208x128xf32, #tpu.memory_space<hbm>>
    tpu.wait_dma2 semaphore(%arg14 : memref<!tpu.dma_semaphore, #tpu.memory_space<semaphore_mem>>) src(%arg9 : memref<208x128xf32, #tpu.memory_space<vmem>>) dst(%dma_wait3A_34 : memref<208x128xf32, #tpu.memory_space<hbm>>)
    %add3A_35 = arith.constant 4400 : i32
    %add3A_36 = arith.addi %mul3A_2, %add3A_35 : i32
    %add3A_37 = arith.constant 208 : i32
    %add3A_38 = arith.addi %add3A_36, %add3A_37 : i32
    %dma_wait3A_39 = arith.constant 0 : i32
    %dma_wait3A_40 = tpu.memref_slice %arg5[%add3A_38, %dma_wait3A_39] : memref<153600x128xf32, #tpu.memory_space<hbm>> -> memref<192x128xf32, #tpu.memory_space<hbm>>
    %dma_wait3A_41 = arith.constant 0 : i32
    %dma_wait3A_42 = tpu.memref_slice %arg5[%add3A_38, %dma_wait3A_41] : memref<153600x128xf32, #tpu.memory_space<hbm>> -> memref<192x128xf32, #tpu.memory_space<hbm>>
    tpu.wait_dma2 semaphore(%arg15 : memref<!tpu.dma_semaphore, #tpu.memory_space<semaphore_mem>>) src(%arg10 : memref<192x128xf32, #tpu.memory_space<vmem>>) dst(%dma_wait3A_42 : memref<192x128xf32, #tpu.memory_space<hbm>>)
    %scan3A_43 = arith.constant 0 : i32
    %scan3A_44 = arith.constant 0 : i32
    %scan3A_45 = arith.constant 300 : i32
    %scan3A_46 = arith.addi %scan3A_44, %scan3A_45 : i32
    %scan3A_47 = arith.constant 1 : i32
    scf.for %scan3A_51 = %scan3A_44 to %scan3A_46 step %scan3A_47  : i32 {
      %mul3A_52 = arith.constant 16 : i32
      %mul3A_53 = arith.muli %scan3A_51, %mul3A_52 : i32
      %get3A = arith.index_cast %mul3A_53 : i32 to index
      %get3A_54 = tpu.vector_load %arg8[%get3A] {strides = array<i32>} : memref<4800xi32, #tpu.memory_space<vmem>>, vector<16xi32>,
      tpu.vector_store_idx %arg11[%get3A_54], %broadcast_in_dim3A_5 {add = true} : memref<10240xf32, #tpu.memory_space<vmem>>[vector<16xi32>], vector<16xf32>,
    }
    %scan3A_48 = arith.constant 300 : i32
    %mul3A_49 = arith.constant 10240 : i32
    %mul3A_50 = arith.muli %add3A, %mul3A_49 : i32
    "tpu.region"() ({
      %run_scoped3A = tpu.sem_alloc : memref<!tpu.dma_semaphore, #tpu.memory_space<semaphore_mem>>
      %dma_start3A_51 = tpu.memref_slice %arg6[%mul3A_50] : memref<327680xf32, #tpu.memory_space<hbm>> -> memref<10240xf32, #tpu.memory_space<hbm>>
      %dma_start3A_52 = tpu.memref_slice %arg6[%mul3A_50] : memref<327680xf32, #tpu.memory_space<hbm>> -> memref<10240xf32, #tpu.memory_space<hbm>>
      tpu.enqueue_dma source(%arg11 : memref<10240xf32, #tpu.memory_space<vmem>>) target(%dma_start3A_52 : memref<10240xf32, #tpu.memory_space<hbm>>) target_semaphore(%run_scoped3A : memref<!tpu.dma_semaphore, #tpu.memory_space<semaphore_mem>>)
      %dma_wait3A_53 = tpu.memref_slice %arg6[%mul3A_50] : memref<327680xf32, #tpu.memory_space<hbm>> -> memref<10240xf32, #tpu.memory_space<hbm>>
      %dma_wait3A_54 = tpu.memref_slice %arg6[%mul3A_50] : memref<327680xf32, #tpu.memory_space<hbm>> -> memref<10240xf32, #tpu.memory_space<hbm>>
      tpu.wait_dma2 semaphore(%run_scoped3A : memref<!tpu.dma_semaphore, #tpu.memory_space<semaphore_mem>>) src(%arg11 : memref<10240xf32, #tpu.memory_space<vmem>>) dst(%dma_wait3A_54 : memref<10240xf32, #tpu.memory_space<hbm>>)
      tpu.yield
    }) : () -> ()
    return
  }
}

#map = affine_map<(d0, d1) -> (0, 0)>
#map1 = affine_map<(d0, d1) -> (0)>
#map2 = affine_map<(d0, d1) -> (0, 0, 0)>
module attributes {stable_mosaic.version = 14 : i64} {
  func.func @k(%arg0: i32, %arg1: i32, %arg2: memref<153600x128xf32, #tpu.memory_space<hbm>>, %arg3: memref<166400x128xf32, #tpu.memory_space<hbm>>, %arg4: memref<320000xi32, #tpu.memory_space<hbm>>, %arg5: memref<320x128xf32, #tpu.memory_space<hbm>>, %arg6: memref<2x5120x128xf32, #tpu.memory_space<hbm>>, %arg7: memref<256xi32, #tpu.memory_space<vmem>>, %arg8: memref<144xi32, #tpu.memory_space<vmem>>, %arg9: memref<256x128xf32, #tpu.memory_space<vmem>>, %arg10: memref<144x128xf32, #tpu.memory_space<vmem>>, %arg11: memref<5128x128xf32, #tpu.memory_space<vmem_shared>>, %arg12: memref<!tpu.dma_semaphore, #tpu.memory_space<semaphore_mem>>, %arg13: memref<!tpu.dma_semaphore, #tpu.memory_space<semaphore_mem>>, %arg14: memref<!tpu.dma_semaphore, #tpu.memory_space<semaphore_mem>>, %arg15: memref<!tpu.dma_semaphore, #tpu.memory_space<semaphore_mem>>, %arg16: memref<!tpu.dma_semaphore, #tpu.memory_space<semaphore_mem>>, %arg17: memref<!tpu.dma_semaphore, #tpu.memory_space<semaphore_mem>>) attributes {dimension_semantics = [#tpu.dimension_semantics<core_parallel>, #tpu.dimension_semantics<subcore_parallel>], iteration_bounds = array<i64: 2, 16>, scalar_prefetch = 0 : i64, scratch_operands = 11 : i64, tpu.core_type = #tpu.core_type<sc_vector_subcore>, window_params = [{transform_indices = #map}, {transform_indices = #map}, {transform_indices = #map1}, {transform_indices = #map}, {transform_indices = #map2}]} {
    %mul3A = arith.constant 5120 : i32
    %mul3A_0 = arith.muli %arg0, %mul3A : i32
    %mul3A_1 = arith.constant 320 : i32
    %mul3A_2 = arith.muli %arg1, %mul3A_1 : i32
    "tpu.region"() ({
      %run_scoped3A = tpu.sem_alloc : memref<!tpu.dma_semaphore, #tpu.memory_space<semaphore_mem>>
      %dma_start3A_58 = arith.constant 0 : i32
      %dma_start3A_59 = tpu.memref_slice %arg11[%mul3A_2, %dma_start3A_58] : memref<5128x128xf32, #tpu.memory_space<vmem_shared>> -> memref<320x128xf32, #tpu.memory_space<vmem_shared>>
      tpu.enqueue_dma source(%arg5 : memref<320x128xf32, #tpu.memory_space<hbm>>) target(%dma_start3A_59 : memref<320x128xf32, #tpu.memory_space<vmem_shared>>) target_semaphore(%run_scoped3A : memref<!tpu.dma_semaphore, #tpu.memory_space<semaphore_mem>>)
      %dma_wait3A_60 = arith.constant 0 : i32
      %dma_wait3A_61 = tpu.memref_slice %arg11[%mul3A_2, %dma_wait3A_60] : memref<5128x128xf32, #tpu.memory_space<vmem_shared>> -> memref<320x128xf32, #tpu.memory_space<vmem_shared>>
      tpu.wait_dma2 semaphore(%run_scoped3A : memref<!tpu.dma_semaphore, #tpu.memory_space<semaphore_mem>>) src(%arg5 : memref<320x128xf32, #tpu.memory_space<hbm>>) dst(%dma_wait3A_61 : memref<320x128xf32, #tpu.memory_space<vmem_shared>>)
      tpu.yield
    }) : () -> ()
    %eq3A = arith.constant 0 : i32
    %eq3A_3 = arith.cmpi eq, %arg1, %eq3A : i32
    %convert_element_type3A = arith.extui %eq3A_3 : i1 to i32
    %cond3A = arith.constant 0 : i32
    %cond3A_4 = arith.cmpi ne, %convert_element_type3A, %cond3A : i32
    scf.if %cond3A_4 {
      "tpu.region"() ({
        %run_scoped3A = tpu.sem_alloc : memref<!tpu.dma_semaphore, #tpu.memory_space<semaphore_mem>>
        %dma_start3A_58 = arith.constant 5120 : i32
        %dma_start3A_59 = arith.constant 0 : i32
        %dma_start3A_60 = tpu.memref_slice %arg11[%dma_start3A_58, %dma_start3A_59] : memref<5128x128xf32, #tpu.memory_space<vmem_shared>> -> memref<8x128xf32, #tpu.memory_space<vmem_shared>>
        %dma_start3A_61 = arith.constant 0 : i32
        %dma_start3A_62 = arith.constant 0 : i32
        %dma_start3A_63 = tpu.memref_slice %arg5[%dma_start3A_61, %dma_start3A_62] : memref<320x128xf32, #tpu.memory_space<hbm>> -> memref<8x128xf32, #tpu.memory_space<hbm>>
        tpu.enqueue_dma source(%dma_start3A_63 : memref<8x128xf32, #tpu.memory_space<hbm>>) target(%dma_start3A_60 : memref<8x128xf32, #tpu.memory_space<vmem_shared>>) target_semaphore(%run_scoped3A : memref<!tpu.dma_semaphore, #tpu.memory_space<semaphore_mem>>)
        %dma_wait3A_64 = arith.constant 5120 : i32
        %dma_wait3A_65 = arith.constant 0 : i32
        %dma_wait3A_66 = tpu.memref_slice %arg11[%dma_wait3A_64, %dma_wait3A_65] : memref<5128x128xf32, #tpu.memory_space<vmem_shared>> -> memref<8x128xf32, #tpu.memory_space<vmem_shared>>
        %dma_wait3A_67 = arith.constant 0 : i32
        %dma_wait3A_68 = arith.constant 0 : i32
        %dma_wait3A_69 = tpu.memref_slice %arg5[%dma_wait3A_67, %dma_wait3A_68] : memref<320x128xf32, #tpu.memory_space<hbm>> -> memref<8x128xf32, #tpu.memory_space<hbm>>
        tpu.wait_dma2 semaphore(%run_scoped3A : memref<!tpu.dma_semaphore, #tpu.memory_space<semaphore_mem>>) src(%dma_wait3A_69 : memref<8x128xf32, #tpu.memory_space<hbm>>) dst(%dma_wait3A_66 : memref<8x128xf32, #tpu.memory_space<vmem_shared>>)
        tpu.yield
      }) : () -> ()
    } else {
    }
    %barrier3A = arith.constant 0 : index
    tpu.barrier barrier_id(%barrier3A)
    %mul3A_5 = arith.constant 9600 : i32
    %mul3A_6 = arith.muli %arg1, %mul3A_5 : i32
    %add3A = arith.constant 0 : i32
    %add3A_7 = arith.addi %mul3A_6, %add3A : i32
    %add3A_8 = arith.constant 0 : i32
    %add3A_9 = arith.addi %add3A_7, %add3A_8 : i32
    %add3A_10 = arith.constant 0 : i32
    %add3A_11 = arith.addi %add3A_10, %add3A_9 : i32
    %dma_start3A = tpu.memref_slice %arg4[%add3A_11] : memref<320000xi32, #tpu.memory_space<hbm>> -> memref<256xi32, #tpu.memory_space<hbm>>
    %dma_start3A_12 = tpu.memref_slice %arg4[%add3A_11] : memref<320000xi32, #tpu.memory_space<hbm>> -> memref<256xi32, #tpu.memory_space<hbm>>
    tpu.enqueue_dma source(%dma_start3A_12 : memref<256xi32, #tpu.memory_space<hbm>>) target(%arg7 : memref<256xi32, #tpu.memory_space<vmem>>) target_semaphore(%arg12 : memref<!tpu.dma_semaphore, #tpu.memory_space<semaphore_mem>>)
    %dma_start3A_13 = arith.constant 0 : i32
    %dma_start3A_14 = tpu.memref_slice %arg2[%add3A_9, %dma_start3A_13] : memref<153600x128xf32, #tpu.memory_space<hbm>> -> memref<256x128xf32, #tpu.memory_space<hbm>>
    %dma_start3A_15 = arith.constant 0 : i32
    %dma_start3A_16 = tpu.memref_slice %arg2[%add3A_9, %dma_start3A_15] : memref<153600x128xf32, #tpu.memory_space<hbm>> -> memref<256x128xf32, #tpu.memory_space<hbm>>
    tpu.enqueue_dma source(%dma_start3A_16 : memref<256x128xf32, #tpu.memory_space<hbm>>) target(%arg9 : memref<256x128xf32, #tpu.memory_space<vmem>>) target_semaphore(%arg14 : memref<!tpu.dma_semaphore, #tpu.memory_space<semaphore_mem>>)
    %scan3A = arith.constant 0 : i32
    %scan3A_17 = arith.constant 0 : i32
    %scan3A_18 = arith.constant 24 : i32
    %scan3A_19 = arith.addi %scan3A_17, %scan3A_18 : i32
    %scan3A_20 = arith.constant 1 : i32
    scf.for %scan3A_58 = %scan3A_17 to %scan3A_19 step %scan3A_20  : i32 {
      %mul3A_59 = arith.constant 9600 : i32
      %mul3A_60 = arith.muli %arg1, %mul3A_59 : i32
      %mul3A_61 = arith.constant 400 : i32
      %mul3A_62 = arith.muli %scan3A_58, %mul3A_61 : i32
      %add3A_63 = arith.addi %mul3A_60, %mul3A_62 : i32
      %add3A_64 = arith.constant 0 : i32
      %add3A_65 = arith.addi %add3A_63, %add3A_64 : i32
      %add3A_66 = arith.constant 0 : i32
      %add3A_67 = arith.addi %add3A_66, %add3A_65 : i32
      %dma_wait3A_68 = tpu.memref_slice %arg4[%add3A_67] : memref<320000xi32, #tpu.memory_space<hbm>> -> memref<256xi32, #tpu.memory_space<hbm>>
      %dma_wait3A_69 = tpu.memref_slice %arg4[%add3A_67] : memref<320000xi32, #tpu.memory_space<hbm>> -> memref<256xi32, #tpu.memory_space<hbm>>
      tpu.wait_dma2 semaphore(%arg12 : memref<!tpu.dma_semaphore, #tpu.memory_space<semaphore_mem>>) src(%dma_wait3A_69 : memref<256xi32, #tpu.memory_space<hbm>>) dst(%arg7 : memref<256xi32, #tpu.memory_space<vmem>>)
      %dma_wait3A_70 = arith.constant 0 : i32
      %dma_wait3A_71 = tpu.memref_slice %arg2[%add3A_65, %dma_wait3A_70] : memref<153600x128xf32, #tpu.memory_space<hbm>> -> memref<256x128xf32, #tpu.memory_space<hbm>>
      %dma_wait3A_72 = arith.constant 0 : i32
      %dma_wait3A_73 = tpu.memref_slice %arg2[%add3A_65, %dma_wait3A_72] : memref<153600x128xf32, #tpu.memory_space<hbm>> -> memref<256x128xf32, #tpu.memory_space<hbm>>
      tpu.wait_dma2 semaphore(%arg14 : memref<!tpu.dma_semaphore, #tpu.memory_space<semaphore_mem>>) src(%dma_wait3A_73 : memref<256x128xf32, #tpu.memory_space<hbm>>) dst(%arg9 : memref<256x128xf32, #tpu.memory_space<vmem>>)
      %scan3A_74 = arith.constant 0 : i32
      %scan3A_75 = arith.constant 0 : i32
      %scan3A_76 = arith.constant 16 : i32
      %scan3A_77 = arith.addi %scan3A_75, %scan3A_76 : i32
      %scan3A_78 = arith.constant 1 : i32
      scf.for %scan3A_130 = %scan3A_75 to %scan3A_77 step %scan3A_78  : i32 {
        %mul3A_131 = arith.constant 16 : i32
        %mul3A_132 = arith.muli %scan3A_130, %mul3A_131 : i32
        %get3A = arith.index_cast %mul3A_132 : i32 to index
        %get3A_133 = tpu.vector_load %arg7[%get3A] {strides = array<i32>} : memref<256xi32, #tpu.memory_space<vmem>>, vector<16xi32>,
        %sub3A = vector.broadcast %mul3A_0 : i32 to vector<16xi32>
        %sub3A_134 = arith.subi %get3A_133, %sub3A : vector<16xi32>
        %ge3A_135 = arith.constant 0 : i32
        %ge3A_136 = vector.broadcast %ge3A_135 : i32 to vector<16xi32>
        %ge3A_137 = arith.cmpi sge, %sub3A_134, %ge3A_136 : vector<16xi32>
        %lt3A_138 = arith.constant 5120 : i32
        %lt3A_139 = vector.broadcast %lt3A_138 : i32 to vector<16xi32>
        %lt3A_140 = arith.cmpi slt, %sub3A_134, %lt3A_139 : vector<16xi32>
        %and3A = arith.andi %ge3A_137, %lt3A_140 : vector<16xi1>
        %jit3A = arith.constant 5120 : i32
        %broadcast_in_dim3A = vector.broadcast %jit3A : i32 to vector<16xi32>
        %select_n3A = arith.select %and3A, %sub3A_134, %broadcast_in_dim3A : vector<16xi1>, vector<16xi32>
        %mul3A_141 = arith.constant 16 : i32
        %mul3A_142 = arith.muli %scan3A_130, %mul3A_141 : i32
        %swap3A = arith.index_cast %mul3A_142 : i32 to index
        %swap3A_143 = tpu.vector_load %arg7[%swap3A] {strides = array<i32>} : memref<256xi32, #tpu.memory_space<vmem>>, vector<16xi32>,
        tpu.vector_store %arg7[%swap3A], %select_n3A {strides = array<i32>} : memref<256xi32, #tpu.memory_space<vmem>>, vector<16xi32>,
      }
      %scan3A_79 = arith.constant 16 : i32
      %dma_start3A_80 = arith.constant 0 : i32
      %dma_start3A_81 = arith.constant 0 : i32
      %dma_start3A_82 = tpu.memref_slice %arg11[%dma_start3A_80, %dma_start3A_81] : memref<5128x128xf32, #tpu.memory_space<vmem_shared>> -> memref<5128x128xf32, #tpu.memory_space<vmem_shared>>
      tpu.enqueue_indirect_dma source(%arg9 : memref<256x128xf32, #tpu.memory_space<vmem>>) target(%dma_start3A_82 : memref<5128x128xf32, #tpu.memory_space<vmem_shared>>) offsets(%arg7 : memref<256xi32, #tpu.memory_space<vmem>>) semaphore(%arg16 : memref<!tpu.dma_semaphore, #tpu.memory_space<semaphore_mem>>) {add = true}
      %ge3A = arith.constant 1 : i32
      %ge3A_83 = arith.cmpi sge, %scan3A_58, %ge3A : i32
      %convert_element_type3A_84 = arith.extui %ge3A_83 : i1 to i32
      %cond3A_85 = arith.constant 0 : i32
      %cond3A_86 = arith.cmpi ne, %convert_element_type3A_84, %cond3A_85 : i32
      scf.if %cond3A_86 {
        %dma_wait3A_130 = arith.constant 0 : i32
        %dma_wait3A_131 = arith.constant 0 : i32
        %dma_wait3A_132 = tpu.memref_slice %arg11[%dma_wait3A_130, %dma_wait3A_131] : memref<5128x128xf32, #tpu.memory_space<vmem_shared>> -> memref<5128x128xf32, #tpu.memory_space<vmem_shared>>
        tpu.wait_indirect_dma semaphore(%arg17 : memref<!tpu.dma_semaphore, #tpu.memory_space<semaphore_mem>>) src(%arg10 : memref<144x128xf32, #tpu.memory_space<vmem>>) dst(%dma_wait3A_132 : memref<5128x128xf32, #tpu.memory_space<vmem_shared>>)
      } else {
      }
      %mul3A_87 = arith.constant 9600 : i32
      %mul3A_88 = arith.muli %arg1, %mul3A_87 : i32
      %mul3A_89 = arith.constant 400 : i32
      %mul3A_90 = arith.muli %scan3A_58, %mul3A_89 : i32
      %add3A_91 = arith.addi %mul3A_88, %mul3A_90 : i32
      %add3A_92 = arith.constant 256 : i32
      %add3A_93 = arith.addi %add3A_91, %add3A_92 : i32
      %add3A_94 = arith.constant 0 : i32
      %add3A_95 = arith.addi %add3A_94, %add3A_93 : i32
      %dma_start3A_96 = tpu.memref_slice %arg4[%add3A_95] : memref<320000xi32, #tpu.memory_space<hbm>> -> memref<144xi32, #tpu.memory_space<hbm>>
      %dma_start3A_97 = tpu.memref_slice %arg4[%add3A_95] : memref<320000xi32, #tpu.memory_space<hbm>> -> memref<144xi32, #tpu.memory_space<hbm>>
      tpu.enqueue_dma source(%dma_start3A_97 : memref<144xi32, #tpu.memory_space<hbm>>) target(%arg8 : memref<144xi32, #tpu.memory_space<vmem>>) target_semaphore(%arg13 : memref<!tpu.dma_semaphore, #tpu.memory_space<semaphore_mem>>)
      %dma_start3A_98 = arith.constant 0 : i32
      %dma_start3A_99 = tpu.memref_slice %arg2[%add3A_93, %dma_start3A_98] : memref<153600x128xf32, #tpu.memory_space<hbm>> -> memref<144x128xf32, #tpu.memory_space<hbm>>
      %dma_start3A_100 = arith.constant 0 : i32
      %dma_start3A_101 = tpu.memref_slice %arg2[%add3A_93, %dma_start3A_100] : memref<153600x128xf32, #tpu.memory_space<hbm>> -> memref<144x128xf32, #tpu.memory_space<hbm>>
      tpu.enqueue_dma source(%dma_start3A_101 : memref<144x128xf32, #tpu.memory_space<hbm>>) target(%arg10 : memref<144x128xf32, #tpu.memory_space<vmem>>) target_semaphore(%arg15 : memref<!tpu.dma_semaphore, #tpu.memory_space<semaphore_mem>>)
      %mul3A_102 = arith.constant 9600 : i32
      %mul3A_103 = arith.muli %arg1, %mul3A_102 : i32
      %mul3A_104 = arith.constant 400 : i32
      %mul3A_105 = arith.muli %scan3A_58, %mul3A_104 : i32
      %add3A_106 = arith.addi %mul3A_103, %mul3A_105 : i32
      %add3A_107 = arith.constant 256 : i32
      %add3A_108 = arith.addi %add3A_106, %add3A_107 : i32
      %add3A_109 = arith.constant 0 : i32
      %add3A_110 = arith.addi %add3A_109, %add3A_108 : i32
      %dma_wait3A_111 = tpu.memref_slice %arg4[%add3A_110] : memref<320000xi32, #tpu.memory_space<hbm>> -> memref<144xi32, #tpu.memory_space<hbm>>
      %dma_wait3A_112 = tpu.memref_slice %arg4[%add3A_110] : memref<320000xi32, #tpu.memory_space<hbm>> -> memref<144xi32, #tpu.memory_space<hbm>>
      tpu.wait_dma2 semaphore(%arg13 : memref<!tpu.dma_semaphore, #tpu.memory_space<semaphore_mem>>) src(%dma_wait3A_112 : memref<144xi32, #tpu.memory_space<hbm>>) dst(%arg8 : memref<144xi32, #tpu.memory_space<vmem>>)
      %dma_wait3A_113 = arith.constant 0 : i32
      %dma_wait3A_114 = tpu.memref_slice %arg2[%add3A_108, %dma_wait3A_113] : memref<153600x128xf32, #tpu.memory_space<hbm>> -> memref<144x128xf32, #tpu.memory_space<hbm>>
      %dma_wait3A_115 = arith.constant 0 : i32
      %dma_wait3A_116 = tpu.memref_slice %arg2[%add3A_108, %dma_wait3A_115] : memref<153600x128xf32, #tpu.memory_space<hbm>> -> memref<144x128xf32, #tpu.memory_space<hbm>>
      tpu.wait_dma2 semaphore(%arg15 : memref<!tpu.dma_semaphore, #tpu.memory_space<semaphore_mem>>) src(%dma_wait3A_116 : memref<144x128xf32, #tpu.memory_space<hbm>>) dst(%arg10 : memref<144x128xf32, #tpu.memory_space<vmem>>)
      %scan3A_117 = arith.constant 0 : i32
      %scan3A_118 = arith.constant 0 : i32
      %scan3A_119 = arith.constant 9 : i32
      %scan3A_120 = arith.addi %scan3A_118, %scan3A_119 : i32
      %scan3A_121 = arith.constant 1 : i32
      scf.for %scan3A_130 = %scan3A_118 to %scan3A_120 step %scan3A_121  : i32 {
        %mul3A_131 = arith.constant 16 : i32
        %mul3A_132 = arith.muli %scan3A_130, %mul3A_131 : i32
        %get3A = arith.index_cast %mul3A_132 : i32 to index
        %get3A_133 = tpu.vector_load %arg8[%get3A] {strides = array<i32>} : memref<144xi32, #tpu.memory_space<vmem>>, vector<16xi32>,
        %sub3A = vector.broadcast %mul3A_0 : i32 to vector<16xi32>
        %sub3A_134 = arith.subi %get3A_133, %sub3A : vector<16xi32>
        %ge3A_135 = arith.constant 0 : i32
        %ge3A_136 = vector.broadcast %ge3A_135 : i32 to vector<16xi32>
        %ge3A_137 = arith.cmpi sge, %sub3A_134, %ge3A_136 : vector<16xi32>
        %lt3A_138 = arith.constant 5120 : i32
        %lt3A_139 = vector.broadcast %lt3A_138 : i32 to vector<16xi32>
        %lt3A_140 = arith.cmpi slt, %sub3A_134, %lt3A_139 : vector<16xi32>
        %and3A = arith.andi %ge3A_137, %lt3A_140 : vector<16xi1>
        %jit3A = arith.constant 5120 : i32
        %broadcast_in_dim3A = vector.broadcast %jit3A : i32 to vector<16xi32>
        %select_n3A = arith.select %and3A, %sub3A_134, %broadcast_in_dim3A : vector<16xi1>, vector<16xi32>
        %mul3A_141 = arith.constant 16 : i32
        %mul3A_142 = arith.muli %scan3A_130, %mul3A_141 : i32
        %swap3A = arith.index_cast %mul3A_142 : i32 to index
        %swap3A_143 = tpu.vector_load %arg8[%swap3A] {strides = array<i32>} : memref<144xi32, #tpu.memory_space<vmem>>, vector<16xi32>,
        tpu.vector_store %arg8[%swap3A], %select_n3A {strides = array<i32>} : memref<144xi32, #tpu.memory_space<vmem>>, vector<16xi32>,
      }
      %scan3A_122 = arith.constant 9 : i32
      %dma_start3A_123 = arith.constant 0 : i32
      %dma_start3A_124 = arith.constant 0 : i32
      %dma_start3A_125 = tpu.memref_slice %arg11[%dma_start3A_123, %dma_start3A_124] : memref<5128x128xf32, #tpu.memory_space<vmem_shared>> -> memref<5128x128xf32, #tpu.memory_space<vmem_shared>>
      tpu.enqueue_indirect_dma source(%arg10 : memref<144x128xf32, #tpu.memory_space<vmem>>) target(%dma_start3A_125 : memref<5128x128xf32, #tpu.memory_space<vmem_shared>>) offsets(%arg8 : memref<144xi32, #tpu.memory_space<vmem>>) semaphore(%arg17 : memref<!tpu.dma_semaphore, #tpu.memory_space<semaphore_mem>>) {add = true}
      %lt3A = arith.constant 23 : i32
      %lt3A_126 = arith.cmpi slt, %scan3A_58, %lt3A : i32
      %convert_element_type3A_127 = arith.extui %lt3A_126 : i1 to i32
      %cond3A_128 = arith.constant 0 : i32
      %cond3A_129 = arith.cmpi ne, %convert_element_type3A_127, %cond3A_128 : i32
      scf.if %cond3A_129 {
        %dma_wait3A_130 = arith.constant 0 : i32
        %dma_wait3A_131 = arith.constant 0 : i32
        %dma_wait3A_132 = tpu.memref_slice %arg11[%dma_wait3A_130, %dma_wait3A_131] : memref<5128x128xf32, #tpu.memory_space<vmem_shared>> -> memref<5128x128xf32, #tpu.memory_space<vmem_shared>>
        tpu.wait_indirect_dma semaphore(%arg16 : memref<!tpu.dma_semaphore, #tpu.memory_space<semaphore_mem>>) src(%arg9 : memref<256x128xf32, #tpu.memory_space<vmem>>) dst(%dma_wait3A_132 : memref<5128x128xf32, #tpu.memory_space<vmem_shared>>)
        %add3A_133 = arith.constant 1 : i32
        %add3A_134 = arith.addi %scan3A_58, %add3A_133 : i32
        %mul3A_135 = arith.constant 9600 : i32
        %mul3A_136 = arith.muli %arg1, %mul3A_135 : i32
        %mul3A_137 = arith.constant 400 : i32
        %mul3A_138 = arith.muli %add3A_134, %mul3A_137 : i32
        %add3A_139 = arith.addi %mul3A_136, %mul3A_138 : i32
        %add3A_140 = arith.constant 0 : i32
        %add3A_141 = arith.addi %add3A_139, %add3A_140 : i32
        %add3A_142 = arith.constant 0 : i32
        %add3A_143 = arith.addi %add3A_142, %add3A_141 : i32
        %dma_start3A_144 = tpu.memref_slice %arg4[%add3A_143] : memref<320000xi32, #tpu.memory_space<hbm>> -> memref<256xi32, #tpu.memory_space<hbm>>
        %dma_start3A_145 = tpu.memref_slice %arg4[%add3A_143] : memref<320000xi32, #tpu.memory_space<hbm>> -> memref<256xi32, #tpu.memory_space<hbm>>
        tpu.enqueue_dma source(%dma_start3A_145 : memref<256xi32, #tpu.memory_space<hbm>>) target(%arg7 : memref<256xi32, #tpu.memory_space<vmem>>) target_semaphore(%arg12 : memref<!tpu.dma_semaphore, #tpu.memory_space<semaphore_mem>>)
        %dma_start3A_146 = arith.constant 0 : i32
        %dma_start3A_147 = tpu.memref_slice %arg2[%add3A_141, %dma_start3A_146] : memref<153600x128xf32, #tpu.memory_space<hbm>> -> memref<256x128xf32, #tpu.memory_space<hbm>>
        %dma_start3A_148 = arith.constant 0 : i32
        %dma_start3A_149 = tpu.memref_slice %arg2[%add3A_141, %dma_start3A_148] : memref<153600x128xf32, #tpu.memory_space<hbm>> -> memref<256x128xf32, #tpu.memory_space<hbm>>
        tpu.enqueue_dma source(%dma_start3A_149 : memref<256x128xf32, #tpu.memory_space<hbm>>) target(%arg9 : memref<256x128xf32, #tpu.memory_space<vmem>>) target_semaphore(%arg14 : memref<!tpu.dma_semaphore, #tpu.memory_space<semaphore_mem>>)
      } else {
      }
    }
    %scan3A_21 = arith.constant 24 : i32
    %dma_wait3A = arith.constant 0 : i32
    %dma_wait3A_22 = arith.constant 0 : i32
    %dma_wait3A_23 = tpu.memref_slice %arg11[%dma_wait3A, %dma_wait3A_22] : memref<5128x128xf32, #tpu.memory_space<vmem_shared>> -> memref<5128x128xf32, #tpu.memory_space<vmem_shared>>
    tpu.wait_indirect_dma semaphore(%arg16 : memref<!tpu.dma_semaphore, #tpu.memory_space<semaphore_mem>>) src(%arg9 : memref<256x128xf32, #tpu.memory_space<vmem>>) dst(%dma_wait3A_23 : memref<5128x128xf32, #tpu.memory_space<vmem_shared>>)
    %dma_wait3A_24 = arith.constant 0 : i32
    %dma_wait3A_25 = arith.constant 0 : i32
    %dma_wait3A_26 = tpu.memref_slice %arg11[%dma_wait3A_24, %dma_wait3A_25] : memref<5128x128xf32, #tpu.memory_space<vmem_shared>> -> memref<5128x128xf32, #tpu.memory_space<vmem_shared>>
    tpu.wait_indirect_dma semaphore(%arg17 : memref<!tpu.dma_semaphore, #tpu.memory_space<semaphore_mem>>) src(%arg10 : memref<144x128xf32, #tpu.memory_space<vmem>>) dst(%dma_wait3A_26 : memref<5128x128xf32, #tpu.memory_space<vmem_shared>>)
    %mul3A_27 = arith.constant 10400 : i32
    %mul3A_28 = arith.muli %arg1, %mul3A_27 : i32
    %add3A_29 = arith.constant 0 : i32
    %add3A_30 = arith.addi %mul3A_28, %add3A_29 : i32
    %add3A_31 = arith.constant 0 : i32
    %add3A_32 = arith.addi %add3A_30, %add3A_31 : i32
    %add3A_33 = arith.constant 153600 : i32
    %add3A_34 = arith.addi %add3A_33, %add3A_32 : i32
    %dma_start3A_35 = tpu.memref_slice %arg4[%add3A_34] : memref<320000xi32, #tpu.memory_space<hbm>> -> memref<256xi32, #tpu.memory_space<hbm>>
    %dma_start3A_36 = tpu.memref_slice %arg4[%add3A_34] : memref<320000xi32, #tpu.memory_space<hbm>> -> memref<256xi32, #tpu.memory_space<hbm>>
    tpu.enqueue_dma source(%dma_start3A_36 : memref<256xi32, #tpu.memory_space<hbm>>) target(%arg7 : memref<256xi32, #tpu.memory_space<vmem>>) target_semaphore(%arg12 : memref<!tpu.dma_semaphore, #tpu.memory_space<semaphore_mem>>)
    %dma_start3A_37 = arith.constant 0 : i32
    %dma_start3A_38 = tpu.memref_slice %arg3[%add3A_32, %dma_start3A_37] : memref<166400x128xf32, #tpu.memory_space<hbm>> -> memref<256x128xf32, #tpu.memory_space<hbm>>
    %dma_start3A_39 = arith.constant 0 : i32
    %dma_start3A_40 = tpu.memref_slice %arg3[%add3A_32, %dma_start3A_39] : memref<166400x128xf32, #tpu.memory_space<hbm>> -> memref<256x128xf32, #tpu.memory_space<hbm>>
    tpu.enqueue_dma source(%dma_start3A_40 : memref<256x128xf32, #tpu.memory_space<hbm>>) target(%arg9 : memref<256x128xf32, #tpu.memory_space<vmem>>) target_semaphore(%arg14 : memref<!tpu.dma_semaphore, #tpu.memory_space<semaphore_mem>>)
    %scan3A_41 = arith.constant 0 : i32
    %scan3A_42 = arith.constant 0 : i32
    %scan3A_43 = arith.constant 26 : i32
    %scan3A_44 = arith.addi %scan3A_42, %scan3A_43 : i32
    %scan3A_45 = arith.constant 1 : i32
    scf.for %scan3A_58 = %scan3A_42 to %scan3A_44 step %scan3A_45  : i32 {
      %mul3A_59 = arith.constant 10400 : i32
      %mul3A_60 = arith.muli %arg1, %mul3A_59 : i32
      %mul3A_61 = arith.constant 400 : i32
      %mul3A_62 = arith.muli %scan3A_58, %mul3A_61 : i32
      %add3A_63 = arith.addi %mul3A_60, %mul3A_62 : i32
      %add3A_64 = arith.constant 0 : i32
      %add3A_65 = arith.addi %add3A_63, %add3A_64 : i32
      %add3A_66 = arith.constant 153600 : i32
      %add3A_67 = arith.addi %add3A_66, %add3A_65 : i32
      %dma_wait3A_68 = tpu.memref_slice %arg4[%add3A_67] : memref<320000xi32, #tpu.memory_space<hbm>> -> memref<256xi32, #tpu.memory_space<hbm>>
      %dma_wait3A_69 = tpu.memref_slice %arg4[%add3A_67] : memref<320000xi32, #tpu.memory_space<hbm>> -> memref<256xi32, #tpu.memory_space<hbm>>
      tpu.wait_dma2 semaphore(%arg12 : memref<!tpu.dma_semaphore, #tpu.memory_space<semaphore_mem>>) src(%dma_wait3A_69 : memref<256xi32, #tpu.memory_space<hbm>>) dst(%arg7 : memref<256xi32, #tpu.memory_space<vmem>>)
      %dma_wait3A_70 = arith.constant 0 : i32
      %dma_wait3A_71 = tpu.memref_slice %arg3[%add3A_65, %dma_wait3A_70] : memref<166400x128xf32, #tpu.memory_space<hbm>> -> memref<256x128xf32, #tpu.memory_space<hbm>>
      %dma_wait3A_72 = arith.constant 0 : i32
      %dma_wait3A_73 = tpu.memref_slice %arg3[%add3A_65, %dma_wait3A_72] : memref<166400x128xf32, #tpu.memory_space<hbm>> -> memref<256x128xf32, #tpu.memory_space<hbm>>
      tpu.wait_dma2 semaphore(%arg14 : memref<!tpu.dma_semaphore, #tpu.memory_space<semaphore_mem>>) src(%dma_wait3A_73 : memref<256x128xf32, #tpu.memory_space<hbm>>) dst(%arg9 : memref<256x128xf32, #tpu.memory_space<vmem>>)
      %scan3A_74 = arith.constant 0 : i32
      %scan3A_75 = arith.constant 0 : i32
      %scan3A_76 = arith.constant 16 : i32
      %scan3A_77 = arith.addi %scan3A_75, %scan3A_76 : i32
      %scan3A_78 = arith.constant 1 : i32
      scf.for %scan3A_130 = %scan3A_75 to %scan3A_77 step %scan3A_78  : i32 {
        %mul3A_131 = arith.constant 16 : i32
        %mul3A_132 = arith.muli %scan3A_130, %mul3A_131 : i32
        %get3A = arith.index_cast %mul3A_132 : i32 to index
        %get3A_133 = tpu.vector_load %arg7[%get3A] {strides = array<i32>} : memref<256xi32, #tpu.memory_space<vmem>>, vector<16xi32>,
        %sub3A = vector.broadcast %mul3A_0 : i32 to vector<16xi32>
        %sub3A_134 = arith.subi %get3A_133, %sub3A : vector<16xi32>
        %ge3A_135 = arith.constant 0 : i32
        %ge3A_136 = vector.broadcast %ge3A_135 : i32 to vector<16xi32>
        %ge3A_137 = arith.cmpi sge, %sub3A_134, %ge3A_136 : vector<16xi32>
        %lt3A_138 = arith.constant 5120 : i32
        %lt3A_139 = vector.broadcast %lt3A_138 : i32 to vector<16xi32>
        %lt3A_140 = arith.cmpi slt, %sub3A_134, %lt3A_139 : vector<16xi32>
        %and3A = arith.andi %ge3A_137, %lt3A_140 : vector<16xi1>
        %jit3A = arith.constant 5120 : i32
        %broadcast_in_dim3A = vector.broadcast %jit3A : i32 to vector<16xi32>
        %select_n3A = arith.select %and3A, %sub3A_134, %broadcast_in_dim3A : vector<16xi1>, vector<16xi32>
        %mul3A_141 = arith.constant 16 : i32
        %mul3A_142 = arith.muli %scan3A_130, %mul3A_141 : i32
        %swap3A = arith.index_cast %mul3A_142 : i32 to index
        %swap3A_143 = tpu.vector_load %arg7[%swap3A] {strides = array<i32>} : memref<256xi32, #tpu.memory_space<vmem>>, vector<16xi32>,
        tpu.vector_store %arg7[%swap3A], %select_n3A {strides = array<i32>} : memref<256xi32, #tpu.memory_space<vmem>>, vector<16xi32>,
      }
      %scan3A_79 = arith.constant 16 : i32
      %dma_start3A_80 = arith.constant 0 : i32
      %dma_start3A_81 = arith.constant 0 : i32
      %dma_start3A_82 = tpu.memref_slice %arg11[%dma_start3A_80, %dma_start3A_81] : memref<5128x128xf32, #tpu.memory_space<vmem_shared>> -> memref<5128x128xf32, #tpu.memory_space<vmem_shared>>
      tpu.enqueue_indirect_dma source(%arg9 : memref<256x128xf32, #tpu.memory_space<vmem>>) target(%dma_start3A_82 : memref<5128x128xf32, #tpu.memory_space<vmem_shared>>) offsets(%arg7 : memref<256xi32, #tpu.memory_space<vmem>>) semaphore(%arg16 : memref<!tpu.dma_semaphore, #tpu.memory_space<semaphore_mem>>) {add = true}
      %ge3A = arith.constant 1 : i32
      %ge3A_83 = arith.cmpi sge, %scan3A_58, %ge3A : i32
      %convert_element_type3A_84 = arith.extui %ge3A_83 : i1 to i32
      %cond3A_85 = arith.constant 0 : i32
      %cond3A_86 = arith.cmpi ne, %convert_element_type3A_84, %cond3A_85 : i32
      scf.if %cond3A_86 {
        %dma_wait3A_130 = arith.constant 0 : i32
        %dma_wait3A_131 = arith.constant 0 : i32
        %dma_wait3A_132 = tpu.memref_slice %arg11[%dma_wait3A_130, %dma_wait3A_131] : memref<5128x128xf32, #tpu.memory_space<vmem_shared>> -> memref<5128x128xf32, #tpu.memory_space<vmem_shared>>
        tpu.wait_indirect_dma semaphore(%arg17 : memref<!tpu.dma_semaphore, #tpu.memory_space<semaphore_mem>>) src(%arg10 : memref<144x128xf32, #tpu.memory_space<vmem>>) dst(%dma_wait3A_132 : memref<5128x128xf32, #tpu.memory_space<vmem_shared>>)
      } else {
      }
      %mul3A_87 = arith.constant 10400 : i32
      %mul3A_88 = arith.muli %arg1, %mul3A_87 : i32
      %mul3A_89 = arith.constant 400 : i32
      %mul3A_90 = arith.muli %scan3A_58, %mul3A_89 : i32
      %add3A_91 = arith.addi %mul3A_88, %mul3A_90 : i32
      %add3A_92 = arith.constant 256 : i32
      %add3A_93 = arith.addi %add3A_91, %add3A_92 : i32
      %add3A_94 = arith.constant 153600 : i32
      %add3A_95 = arith.addi %add3A_94, %add3A_93 : i32
      %dma_start3A_96 = tpu.memref_slice %arg4[%add3A_95] : memref<320000xi32, #tpu.memory_space<hbm>> -> memref<144xi32, #tpu.memory_space<hbm>>
      %dma_start3A_97 = tpu.memref_slice %arg4[%add3A_95] : memref<320000xi32, #tpu.memory_space<hbm>> -> memref<144xi32, #tpu.memory_space<hbm>>
      tpu.enqueue_dma source(%dma_start3A_97 : memref<144xi32, #tpu.memory_space<hbm>>) target(%arg8 : memref<144xi32, #tpu.memory_space<vmem>>) target_semaphore(%arg13 : memref<!tpu.dma_semaphore, #tpu.memory_space<semaphore_mem>>)
      %dma_start3A_98 = arith.constant 0 : i32
      %dma_start3A_99 = tpu.memref_slice %arg3[%add3A_93, %dma_start3A_98] : memref<166400x128xf32, #tpu.memory_space<hbm>> -> memref<144x128xf32, #tpu.memory_space<hbm>>
      %dma_start3A_100 = arith.constant 0 : i32
      %dma_start3A_101 = tpu.memref_slice %arg3[%add3A_93, %dma_start3A_100] : memref<166400x128xf32, #tpu.memory_space<hbm>> -> memref<144x128xf32, #tpu.memory_space<hbm>>
      tpu.enqueue_dma source(%dma_start3A_101 : memref<144x128xf32, #tpu.memory_space<hbm>>) target(%arg10 : memref<144x128xf32, #tpu.memory_space<vmem>>) target_semaphore(%arg15 : memref<!tpu.dma_semaphore, #tpu.memory_space<semaphore_mem>>)
      %mul3A_102 = arith.constant 10400 : i32
      %mul3A_103 = arith.muli %arg1, %mul3A_102 : i32
      %mul3A_104 = arith.constant 400 : i32
      %mul3A_105 = arith.muli %scan3A_58, %mul3A_104 : i32
      %add3A_106 = arith.addi %mul3A_103, %mul3A_105 : i32
      %add3A_107 = arith.constant 256 : i32
      %add3A_108 = arith.addi %add3A_106, %add3A_107 : i32
      %add3A_109 = arith.constant 153600 : i32
      %add3A_110 = arith.addi %add3A_109, %add3A_108 : i32
      %dma_wait3A_111 = tpu.memref_slice %arg4[%add3A_110] : memref<320000xi32, #tpu.memory_space<hbm>> -> memref<144xi32, #tpu.memory_space<hbm>>
      %dma_wait3A_112 = tpu.memref_slice %arg4[%add3A_110] : memref<320000xi32, #tpu.memory_space<hbm>> -> memref<144xi32, #tpu.memory_space<hbm>>
      tpu.wait_dma2 semaphore(%arg13 : memref<!tpu.dma_semaphore, #tpu.memory_space<semaphore_mem>>) src(%dma_wait3A_112 : memref<144xi32, #tpu.memory_space<hbm>>) dst(%arg8 : memref<144xi32, #tpu.memory_space<vmem>>)
      %dma_wait3A_113 = arith.constant 0 : i32
      %dma_wait3A_114 = tpu.memref_slice %arg3[%add3A_108, %dma_wait3A_113] : memref<166400x128xf32, #tpu.memory_space<hbm>> -> memref<144x128xf32, #tpu.memory_space<hbm>>
      %dma_wait3A_115 = arith.constant 0 : i32
      %dma_wait3A_116 = tpu.memref_slice %arg3[%add3A_108, %dma_wait3A_115] : memref<166400x128xf32, #tpu.memory_space<hbm>> -> memref<144x128xf32, #tpu.memory_space<hbm>>
      tpu.wait_dma2 semaphore(%arg15 : memref<!tpu.dma_semaphore, #tpu.memory_space<semaphore_mem>>) src(%dma_wait3A_116 : memref<144x128xf32, #tpu.memory_space<hbm>>) dst(%arg10 : memref<144x128xf32, #tpu.memory_space<vmem>>)
      %scan3A_117 = arith.constant 0 : i32
      %scan3A_118 = arith.constant 0 : i32
      %scan3A_119 = arith.constant 9 : i32
      %scan3A_120 = arith.addi %scan3A_118, %scan3A_119 : i32
      %scan3A_121 = arith.constant 1 : i32
      scf.for %scan3A_130 = %scan3A_118 to %scan3A_120 step %scan3A_121  : i32 {
        %mul3A_131 = arith.constant 16 : i32
        %mul3A_132 = arith.muli %scan3A_130, %mul3A_131 : i32
        %get3A = arith.index_cast %mul3A_132 : i32 to index
        %get3A_133 = tpu.vector_load %arg8[%get3A] {strides = array<i32>} : memref<144xi32, #tpu.memory_space<vmem>>, vector<16xi32>,
        %sub3A = vector.broadcast %mul3A_0 : i32 to vector<16xi32>
        %sub3A_134 = arith.subi %get3A_133, %sub3A : vector<16xi32>
        %ge3A_135 = arith.constant 0 : i32
        %ge3A_136 = vector.broadcast %ge3A_135 : i32 to vector<16xi32>
        %ge3A_137 = arith.cmpi sge, %sub3A_134, %ge3A_136 : vector<16xi32>
        %lt3A_138 = arith.constant 5120 : i32
        %lt3A_139 = vector.broadcast %lt3A_138 : i32 to vector<16xi32>
        %lt3A_140 = arith.cmpi slt, %sub3A_134, %lt3A_139 : vector<16xi32>
        %and3A = arith.andi %ge3A_137, %lt3A_140 : vector<16xi1>
        %jit3A = arith.constant 5120 : i32
        %broadcast_in_dim3A = vector.broadcast %jit3A : i32 to vector<16xi32>
        %select_n3A = arith.select %and3A, %sub3A_134, %broadcast_in_dim3A : vector<16xi1>, vector<16xi32>
        %mul3A_141 = arith.constant 16 : i32
        %mul3A_142 = arith.muli %scan3A_130, %mul3A_141 : i32
        %swap3A = arith.index_cast %mul3A_142 : i32 to index
        %swap3A_143 = tpu.vector_load %arg8[%swap3A] {strides = array<i32>} : memref<144xi32, #tpu.memory_space<vmem>>, vector<16xi32>,
        tpu.vector_store %arg8[%swap3A], %select_n3A {strides = array<i32>} : memref<144xi32, #tpu.memory_space<vmem>>, vector<16xi32>,
      }
      %scan3A_122 = arith.constant 9 : i32
      %dma_start3A_123 = arith.constant 0 : i32
      %dma_start3A_124 = arith.constant 0 : i32
      %dma_start3A_125 = tpu.memref_slice %arg11[%dma_start3A_123, %dma_start3A_124] : memref<5128x128xf32, #tpu.memory_space<vmem_shared>> -> memref<5128x128xf32, #tpu.memory_space<vmem_shared>>
      tpu.enqueue_indirect_dma source(%arg10 : memref<144x128xf32, #tpu.memory_space<vmem>>) target(%dma_start3A_125 : memref<5128x128xf32, #tpu.memory_space<vmem_shared>>) offsets(%arg8 : memref<144xi32, #tpu.memory_space<vmem>>) semaphore(%arg17 : memref<!tpu.dma_semaphore, #tpu.memory_space<semaphore_mem>>) {add = true}
      %lt3A = arith.constant 25 : i32
      %lt3A_126 = arith.cmpi slt, %scan3A_58, %lt3A : i32
      %convert_element_type3A_127 = arith.extui %lt3A_126 : i1 to i32
      %cond3A_128 = arith.constant 0 : i32
      %cond3A_129 = arith.cmpi ne, %convert_element_type3A_127, %cond3A_128 : i32
      scf.if %cond3A_129 {
        %dma_wait3A_130 = arith.constant 0 : i32
        %dma_wait3A_131 = arith.constant 0 : i32
        %dma_wait3A_132 = tpu.memref_slice %arg11[%dma_wait3A_130, %dma_wait3A_131] : memref<5128x128xf32, #tpu.memory_space<vmem_shared>> -> memref<5128x128xf32, #tpu.memory_space<vmem_shared>>
        tpu.wait_indirect_dma semaphore(%arg16 : memref<!tpu.dma_semaphore, #tpu.memory_space<semaphore_mem>>) src(%arg9 : memref<256x128xf32, #tpu.memory_space<vmem>>) dst(%dma_wait3A_132 : memref<5128x128xf32, #tpu.memory_space<vmem_shared>>)
        %add3A_133 = arith.constant 1 : i32
        %add3A_134 = arith.addi %scan3A_58, %add3A_133 : i32
        %mul3A_135 = arith.constant 10400 : i32
        %mul3A_136 = arith.muli %arg1, %mul3A_135 : i32
        %mul3A_137 = arith.constant 400 : i32
        %mul3A_138 = arith.muli %add3A_134, %mul3A_137 : i32
        %add3A_139 = arith.addi %mul3A_136, %mul3A_138 : i32
        %add3A_140 = arith.constant 0 : i32
        %add3A_141 = arith.addi %add3A_139, %add3A_140 : i32
        %add3A_142 = arith.constant 153600 : i32
        %add3A_143 = arith.addi %add3A_142, %add3A_141 : i32
        %dma_start3A_144 = tpu.memref_slice %arg4[%add3A_143] : memref<320000xi32, #tpu.memory_space<hbm>> -> memref<256xi32, #tpu.memory_space<hbm>>
        %dma_start3A_145 = tpu.memref_slice %arg4[%add3A_143] : memref<320000xi32, #tpu.memory_space<hbm>> -> memref<256xi32, #tpu.memory_space<hbm>>
        tpu.enqueue_dma source(%dma_start3A_145 : memref<256xi32, #tpu.memory_space<hbm>>) target(%arg7 : memref<256xi32, #tpu.memory_space<vmem>>) target_semaphore(%arg12 : memref<!tpu.dma_semaphore, #tpu.memory_space<semaphore_mem>>)
        %dma_start3A_146 = arith.constant 0 : i32
        %dma_start3A_147 = tpu.memref_slice %arg3[%add3A_141, %dma_start3A_146] : memref<166400x128xf32, #tpu.memory_space<hbm>> -> memref<256x128xf32, #tpu.memory_space<hbm>>
        %dma_start3A_148 = arith.constant 0 : i32
        %dma_start3A_149 = tpu.memref_slice %arg3[%add3A_141, %dma_start3A_148] : memref<166400x128xf32, #tpu.memory_space<hbm>> -> memref<256x128xf32, #tpu.memory_space<hbm>>
        tpu.enqueue_dma source(%dma_start3A_149 : memref<256x128xf32, #tpu.memory_space<hbm>>) target(%arg9 : memref<256x128xf32, #tpu.memory_space<vmem>>) target_semaphore(%arg14 : memref<!tpu.dma_semaphore, #tpu.memory_space<semaphore_mem>>)
      } else {
      }
    }
    %scan3A_46 = arith.constant 26 : i32
    %dma_wait3A_47 = arith.constant 0 : i32
    %dma_wait3A_48 = arith.constant 0 : i32
    %dma_wait3A_49 = tpu.memref_slice %arg11[%dma_wait3A_47, %dma_wait3A_48] : memref<5128x128xf32, #tpu.memory_space<vmem_shared>> -> memref<5128x128xf32, #tpu.memory_space<vmem_shared>>
    tpu.wait_indirect_dma semaphore(%arg16 : memref<!tpu.dma_semaphore, #tpu.memory_space<semaphore_mem>>) src(%arg9 : memref<256x128xf32, #tpu.memory_space<vmem>>) dst(%dma_wait3A_49 : memref<5128x128xf32, #tpu.memory_space<vmem_shared>>)
    %dma_wait3A_50 = arith.constant 0 : i32
    %dma_wait3A_51 = arith.constant 0 : i32
    %dma_wait3A_52 = tpu.memref_slice %arg11[%dma_wait3A_50, %dma_wait3A_51] : memref<5128x128xf32, #tpu.memory_space<vmem_shared>> -> memref<5128x128xf32, #tpu.memory_space<vmem_shared>>
    tpu.wait_indirect_dma semaphore(%arg17 : memref<!tpu.dma_semaphore, #tpu.memory_space<semaphore_mem>>) src(%arg10 : memref<144x128xf32, #tpu.memory_space<vmem>>) dst(%dma_wait3A_52 : memref<5128x128xf32, #tpu.memory_space<vmem_shared>>)
    %barrier3A_53 = arith.constant 0 : index
    tpu.barrier barrier_id(%barrier3A_53)
    %mul3A_54 = arith.constant 320 : i32
    %mul3A_55 = arith.muli %arg1, %mul3A_54 : i32
    %mul3A_56 = arith.constant 320 : i32
    %mul3A_57 = arith.muli %arg1, %mul3A_56 : i32
    "tpu.region"() ({
      %run_scoped3A = tpu.sem_alloc : memref<!tpu.dma_semaphore, #tpu.memory_space<semaphore_mem>>
      %dma_start3A_58 = arith.constant 0 : i32
      %dma_start3A_59 = arith.constant 0 : i32
      %dma_start3A_60 = tpu.memref_slice %arg6[%arg0, %dma_start3A_58, %dma_start3A_59] : memref<2x5120x128xf32, #tpu.memory_space<hbm>> -> memref<1x5120x128xf32, #tpu.memory_space<hbm>>
      %dma_start3A_61 = tpu.memref_squeeze %dma_start3A_60 : memref<1x5120x128xf32, #tpu.memory_space<hbm>> -> memref<5120x128xf32, #tpu.memory_space<hbm>>
      %dma_start3A_62 = arith.constant 0 : i32
      %dma_start3A_63 = tpu.memref_slice %dma_start3A_61[%mul3A_57, %dma_start3A_62] : memref<5120x128xf32, #tpu.memory_space<hbm>> -> memref<320x128xf32, #tpu.memory_space<hbm>>
      %dma_start3A_64 = arith.constant 0 : i32
      %dma_start3A_65 = tpu.memref_slice %arg11[%mul3A_55, %dma_start3A_64] : memref<5128x128xf32, #tpu.memory_space<vmem_shared>> -> memref<320x128xf32, #tpu.memory_space<vmem_shared>>
      tpu.enqueue_dma source(%dma_start3A_65 : memref<320x128xf32, #tpu.memory_space<vmem_shared>>) target(%dma_start3A_63 : memref<320x128xf32, #tpu.memory_space<hbm>>) target_semaphore(%run_scoped3A : memref<!tpu.dma_semaphore, #tpu.memory_space<semaphore_mem>>)
      %dma_wait3A_66 = arith.constant 0 : i32
      %dma_wait3A_67 = arith.constant 0 : i32
      %dma_wait3A_68 = tpu.memref_slice %arg6[%arg0, %dma_wait3A_66, %dma_wait3A_67] : memref<2x5120x128xf32, #tpu.memory_space<hbm>> -> memref<1x5120x128xf32, #tpu.memory_space<hbm>>
      %dma_wait3A_69 = tpu.memref_squeeze %dma_wait3A_68 : memref<1x5120x128xf32, #tpu.memory_space<hbm>> -> memref<5120x128xf32, #tpu.memory_space<hbm>>
      %dma_wait3A_70 = arith.constant 0 : i32
      %dma_wait3A_71 = tpu.memref_slice %dma_wait3A_69[%mul3A_57, %dma_wait3A_70] : memref<5120x128xf32, #tpu.memory_space<hbm>> -> memref<320x128xf32, #tpu.memory_space<hbm>>
      %dma_wait3A_72 = arith.constant 0 : i32
      %dma_wait3A_73 = tpu.memref_slice %arg11[%mul3A_55, %dma_wait3A_72] : memref<5128x128xf32, #tpu.memory_space<vmem_shared>> -> memref<320x128xf32, #tpu.memory_space<vmem_shared>>
      tpu.wait_dma2 semaphore(%run_scoped3A : memref<!tpu.dma_semaphore, #tpu.memory_space<semaphore_mem>>) src(%dma_wait3A_73 : memref<320x128xf32, #tpu.memory_space<vmem_shared>>) dst(%dma_wait3A_71 : memref<320x128xf32, #tpu.memory_space<hbm>>)
      tpu.yield
    }) : () -> ()
    return
  }
}

module attributes {stable_mosaic.version = 14 : i64} {
  func.func @body(%arg0: i32, %arg1: memref<2080x128xf32, #tpu.memory_space<vmem>>, %arg2: memref<2080x16xbf16, #tpu.memory_space<vmem>>, %arg3: memref<128x128xbf16, #tpu.memory_space<vmem>>, %arg4: memref<16x128xbf16, #tpu.memory_space<vmem>>, %arg5: memref<1x128xf32, #tpu.memory_space<vmem>>, %arg6: memref<128x128xbf16, #tpu.memory_space<vmem>>, %arg7: memref<1x128xf32, #tpu.memory_space<vmem>>, %arg8: memref<128x128xbf16, #tpu.memory_space<vmem>>, %arg9: memref<1x128xf32, #tpu.memory_space<vmem>>, %arg10: memref<128x144xbf16, #tpu.memory_space<vmem>>, %arg11: memref<1x144xf32, #tpu.memory_space<vmem>>, %arg12: memref<144x128xbf16, #tpu.memory_space<vmem>>, %arg13: memref<2080x128xf32, #tpu.memory_space<vmem>>) attributes {dimension_semantics = [#tpu.dimension_semantics<arbitrary>], iteration_bounds = array<i64: 80>, scalar_prefetch = 0 : i64, scratch_operands = 0 : i64, tpu.core_type = #tpu.core_type<tc>, window_params = [{transform_indices = @transform_0, window_bounds = array<i64: 2080, 128>}, {transform_indices = @transform_1, window_bounds = array<i64: 2080, 16>}, {pipeline_mode = #tpu.pipeline_mode<synchronous>, transform_indices = @transform_2, window_bounds = array<i64: 128, 128>}, {pipeline_mode = #tpu.pipeline_mode<synchronous>, transform_indices = @transform_3, window_bounds = array<i64: 16, 128>}, {pipeline_mode = #tpu.pipeline_mode<synchronous>, transform_indices = @transform_4, window_bounds = array<i64: 1, 128>}, {pipeline_mode = #tpu.pipeline_mode<synchronous>, transform_indices = @transform_5, window_bounds = array<i64: 128, 128>}, {pipeline_mode = #tpu.pipeline_mode<synchronous>, transform_indices = @transform_6, window_bounds = array<i64: 1, 128>}, {pipeline_mode = #tpu.pipeline_mode<synchronous>, transform_indices = @transform_7, window_bounds = array<i64: 128, 128>}, {pipeline_mode = #tpu.pipeline_mode<synchronous>, transform_indices = @transform_8, window_bounds = array<i64: 1, 128>}, {pipeline_mode = #tpu.pipeline_mode<synchronous>, transform_indices = @transform_9, window_bounds = array<i64: 128, 144>}, {pipeline_mode = #tpu.pipeline_mode<synchronous>, transform_indices = @transform_10, window_bounds = array<i64: 1, 144>}, {pipeline_mode = #tpu.pipeline_mode<synchronous>, transform_indices = @transform_11, window_bounds = array<i64: 144, 128>}, {transform_indices = @transform_12, window_bounds = array<i64: 2080, 128>}]} {
    %get3A = arith.constant 0 : index
    %get3A_0 = arith.constant 0 : index
    %get3A_1 = vector.load %arg1[%get3A, %get3A_0] : memref<2080x128xf32, #tpu.memory_space<vmem>>, vector<2080x128xf32>
    %convert_element_type3A = arith.truncf %get3A_1 : vector<2080x128xf32> to vector<2080x128xbf16>
    %get3A_2 = arith.constant 0 : index
    %get3A_3 = arith.constant 0 : index
    %get3A_4 = vector.load %arg3[%get3A_2, %get3A_3] : memref<128x128xbf16, #tpu.memory_space<vmem>>, vector<128x128xbf16>
    %dot_general3A = arith.constant dense<0.000000e+00> : vector<2080x128xf32>
    %dot_general3A_5 = tpu.matmul %convert_element_type3A, %get3A_4, %dot_general3A {dimension_numbers = #tpu.dot_dimension_numbers<[1], [0], [0], [1], [0, 0, 1, 1], [], []>, transpose_lhs_hint = false} : vector<2080x128xbf16>, vector<128x128xbf16>, vector<2080x128xf32> -> vector<2080x128xf32>
    %get3A_6 = arith.constant 0 : index
    %get3A_7 = arith.constant 0 : index
    %get3A_8 = vector.load %arg2[%get3A_6, %get3A_7] : memref<2080x16xbf16, #tpu.memory_space<vmem>>, vector<2080x16xbf16>
    %get3A_9 = arith.constant 0 : index
    %get3A_10 = arith.constant 0 : index
    %get3A_11 = vector.load %arg4[%get3A_9, %get3A_10] : memref<16x128xbf16, #tpu.memory_space<vmem>>, vector<16x128xbf16>
    %dot_general3A_12 = arith.constant dense<0.000000e+00> : vector<2080x128xf32>
    %dot_general3A_13 = tpu.matmul %get3A_8, %get3A_11, %dot_general3A_12 {dimension_numbers = #tpu.dot_dimension_numbers<[1], [0], [0], [1], [0, 0, 1, 1], [], []>, transpose_lhs_hint = false} : vector<2080x16xbf16>, vector<16x128xbf16>, vector<2080x128xf32> -> vector<2080x128xf32>
    %add3A = arith.addf %dot_general3A_5, %dot_general3A_13 : vector<2080x128xf32>
    %get3A_14 = arith.constant 0 : index
    %get3A_15 = arith.constant 0 : index
    %get3A_16 = vector.load %arg5[%get3A_14, %get3A_15] : memref<1x128xf32, #tpu.memory_space<vmem>>, vector<1x128xf32>
    %add3A_17 = vector.broadcast %get3A_16 : vector<1x128xf32> to vector<2080x128xf32>
    %add3A_18 = arith.addf %add3A, %add3A_17 : vector<2080x128xf32>
    %max3A = arith.constant 0.000000e+00 : f32
    %max3A_19 = vector.broadcast %max3A : f32 to vector<2080x128xf32>
    %max3A_20 = arith.maximumf %add3A_18, %max3A_19 : vector<2080x128xf32>
    %convert_element_type3A_21 = arith.truncf %max3A_20 : vector<2080x128xf32> to vector<2080x128xbf16>
    %get3A_22 = arith.constant 0 : index
    %get3A_23 = arith.constant 0 : index
    %get3A_24 = vector.load %arg6[%get3A_22, %get3A_23] : memref<128x128xbf16, #tpu.memory_space<vmem>>, vector<128x128xbf16>
    %dot_general3A_25 = arith.constant dense<0.000000e+00> : vector<2080x128xf32>
    %dot_general3A_26 = tpu.matmul %convert_element_type3A_21, %get3A_24, %dot_general3A_25 {dimension_numbers = #tpu.dot_dimension_numbers<[1], [0], [0], [1], [0, 0, 1, 1], [], []>, transpose_lhs_hint = false} : vector<2080x128xbf16>, vector<128x128xbf16>, vector<2080x128xf32> -> vector<2080x128xf32>
    %get3A_27 = arith.constant 0 : index
    %get3A_28 = arith.constant 0 : index
    %get3A_29 = vector.load %arg7[%get3A_27, %get3A_28] : memref<1x128xf32, #tpu.memory_space<vmem>>, vector<1x128xf32>
    %add3A_30 = vector.broadcast %get3A_29 : vector<1x128xf32> to vector<2080x128xf32>
    %add3A_31 = arith.addf %dot_general3A_26, %add3A_30 : vector<2080x128xf32>
    %max3A_32 = arith.constant 0.000000e+00 : f32
    %max3A_33 = vector.broadcast %max3A_32 : f32 to vector<2080x128xf32>
    %max3A_34 = arith.maximumf %add3A_31, %max3A_33 : vector<2080x128xf32>
    %convert_element_type3A_35 = arith.truncf %max3A_34 : vector<2080x128xf32> to vector<2080x128xbf16>
    %get3A_36 = arith.constant 0 : index
    %get3A_37 = arith.constant 0 : index
    %get3A_38 = vector.load %arg8[%get3A_36, %get3A_37] : memref<128x128xbf16, #tpu.memory_space<vmem>>, vector<128x128xbf16>
    %dot_general3A_39 = arith.constant dense<0.000000e+00> : vector<2080x128xf32>
    %dot_general3A_40 = tpu.matmul %convert_element_type3A_35, %get3A_38, %dot_general3A_39 {dimension_numbers = #tpu.dot_dimension_numbers<[1], [0], [0], [1], [0, 0, 1, 1], [], []>, transpose_lhs_hint = false} : vector<2080x128xbf16>, vector<128x128xbf16>, vector<2080x128xf32> -> vector<2080x128xf32>
    %get3A_41 = arith.constant 0 : index
    %get3A_42 = arith.constant 0 : index
    %get3A_43 = vector.load %arg9[%get3A_41, %get3A_42] : memref<1x128xf32, #tpu.memory_space<vmem>>, vector<1x128xf32>
    %add3A_44 = vector.broadcast %get3A_43 : vector<1x128xf32> to vector<2080x128xf32>
    %add3A_45 = arith.addf %dot_general3A_40, %add3A_44 : vector<2080x128xf32>
    %max3A_46 = arith.constant 0.000000e+00 : f32
    %max3A_47 = vector.broadcast %max3A_46 : f32 to vector<2080x128xf32>
    %max3A_48 = arith.maximumf %add3A_45, %max3A_47 : vector<2080x128xf32>
    %convert_element_type3A_49 = arith.truncf %max3A_48 : vector<2080x128xf32> to vector<2080x128xbf16>
    %get3A_50 = arith.constant 0 : index
    %get3A_51 = arith.constant 0 : index
    %get3A_52 = vector.load %arg10[%get3A_50, %get3A_51] : memref<128x144xbf16, #tpu.memory_space<vmem>>, vector<128x144xbf16>
    %dot_general3A_53 = arith.constant dense<0.000000e+00> : vector<2080x144xf32>
    %dot_general3A_54 = tpu.matmul %convert_element_type3A_49, %get3A_52, %dot_general3A_53 {dimension_numbers = #tpu.dot_dimension_numbers<[1], [0], [0], [1], [0, 0, 1, 1], [], []>, transpose_lhs_hint = false} : vector<2080x128xbf16>, vector<128x144xbf16>, vector<2080x144xf32> -> vector<2080x144xf32>
    %get3A_55 = arith.constant 0 : index
    %get3A_56 = arith.constant 0 : index
    %get3A_57 = vector.load %arg11[%get3A_55, %get3A_56] : memref<1x144xf32, #tpu.memory_space<vmem>>, vector<1x144xf32>
    %add3A_58 = vector.broadcast %get3A_57 : vector<1x144xf32> to vector<2080x144xf32>
    %add3A_59 = arith.addf %dot_general3A_54, %add3A_58 : vector<2080x144xf32>
    %max3A_60 = arith.constant 0.000000e+00 : f32
    %max3A_61 = vector.broadcast %max3A_60 : f32 to vector<2080x144xf32>
    %max3A_62 = arith.maximumf %add3A_59, %max3A_61 : vector<2080x144xf32>
    %convert_element_type3A_63 = arith.truncf %max3A_62 : vector<2080x144xf32> to vector<2080x144xbf16>
    %get3A_64 = arith.constant 0 : index
    %get3A_65 = arith.constant 0 : index
    %get3A_66 = vector.load %arg12[%get3A_64, %get3A_65] : memref<144x128xbf16, #tpu.memory_space<vmem>>, vector<144x128xbf16>
    %dot_general3A_67 = arith.constant dense<0.000000e+00> : vector<2080x128xf32>
    %dot_general3A_68 = tpu.matmul %convert_element_type3A_63, %get3A_66, %dot_general3A_67 {dimension_numbers = #tpu.dot_dimension_numbers<[1], [0], [0], [1], [0, 0, 1, 1], [], []>, transpose_lhs_hint = false} : vector<2080x144xbf16>, vector<144x128xbf16>, vector<2080x128xf32> -> vector<2080x128xf32>
    %swap3A = arith.constant 0 : index
    %swap3A_69 = arith.constant 0 : index
    %swap3A_70 = vector.load %arg13[%swap3A, %swap3A_69] : memref<2080x128xf32, #tpu.memory_space<vmem>>, vector<2080x128xf32>
    tpu.vector_store %arg13[%swap3A, %swap3A_69], %dot_general3A_68 {strides = array<i32>} : memref<2080x128xf32, #tpu.memory_space<vmem>>, vector<2080x128xf32>,
    return
  }
  func.func @transform_0(%arg0: i32) -> (i32, i32) {
    %c0_i32 = arith.constant 0 : i32
    %c0_i32_0 = arith.constant 0 : i32
    return %arg0, %c0_i32 : i32, i32
  }
  func.func @transform_1(%arg0: i32) -> (i32, i32) {
    %c0_i32 = arith.constant 0 : i32
    %c0_i32_0 = arith.constant 0 : i32
    return %arg0, %c0_i32 : i32, i32
  }
  func.func @transform_2(%arg0: i32) -> (i32, i32) {
    %c0_i32 = arith.constant 0 : i32
    %c0_i32_0 = arith.constant 0 : i32
    %c0_i32_1 = arith.constant 0 : i32
    return %c0_i32, %c0_i32_0 : i32, i32
  }
  func.func @transform_3(%arg0: i32) -> (i32, i32) {
    %c0_i32 = arith.constant 0 : i32
    %c0_i32_0 = arith.constant 0 : i32
    %c0_i32_1 = arith.constant 0 : i32
    return %c0_i32, %c0_i32_0 : i32, i32
  }
  func.func @transform_4(%arg0: i32) -> (i32, i32) {
    %c0_i32 = arith.constant 0 : i32
    %c0_i32_0 = arith.constant 0 : i32
    %c0_i32_1 = arith.constant 0 : i32
    return %c0_i32, %c0_i32_0 : i32, i32
  }
  func.func @transform_5(%arg0: i32) -> (i32, i32) {
    %c0_i32 = arith.constant 0 : i32
    %c0_i32_0 = arith.constant 0 : i32
    %c0_i32_1 = arith.constant 0 : i32
    return %c0_i32, %c0_i32_0 : i32, i32
  }
  func.func @transform_6(%arg0: i32) -> (i32, i32) {
    %c0_i32 = arith.constant 0 : i32
    %c0_i32_0 = arith.constant 0 : i32
    %c0_i32_1 = arith.constant 0 : i32
    return %c0_i32, %c0_i32_0 : i32, i32
  }
  func.func @transform_7(%arg0: i32) -> (i32, i32) {
    %c0_i32 = arith.constant 0 : i32
    %c0_i32_0 = arith.constant 0 : i32
    %c0_i32_1 = arith.constant 0 : i32
    return %c0_i32, %c0_i32_0 : i32, i32
  }
  func.func @transform_8(%arg0: i32) -> (i32, i32) {
    %c0_i32 = arith.constant 0 : i32
    %c0_i32_0 = arith.constant 0 : i32
    %c0_i32_1 = arith.constant 0 : i32
    return %c0_i32, %c0_i32_0 : i32, i32
  }
  func.func @transform_9(%arg0: i32) -> (i32, i32) {
    %c0_i32 = arith.constant 0 : i32
    %c0_i32_0 = arith.constant 0 : i32
    %c0_i32_1 = arith.constant 0 : i32
    return %c0_i32, %c0_i32_0 : i32, i32
  }
  func.func @transform_10(%arg0: i32) -> (i32, i32) {
    %c0_i32 = arith.constant 0 : i32
    %c0_i32_0 = arith.constant 0 : i32
    %c0_i32_1 = arith.constant 0 : i32
    return %c0_i32, %c0_i32_0 : i32, i32
  }
  func.func @transform_11(%arg0: i32) -> (i32, i32) {
    %c0_i32 = arith.constant 0 : i32
    %c0_i32_0 = arith.constant 0 : i32
    %c0_i32_1 = arith.constant 0 : i32
    return %c0_i32, %c0_i32_0 : i32, i32
  }
  func.func @transform_12(%arg0: i32) -> (i32, i32) {
    %c0_i32 = arith.constant 0 : i32
    %c0_i32_0 = arith.constant 0 : i32
    return %arg0, %c0_i32 : i32, i32
  }
}

module attributes {stable_mosaic.version = 14 : i64} {
  func.func @body(%arg0: i32, %arg1: memref<1920x128xf32, #tpu.memory_space<vmem>>, %arg2: memref<1920x16xbf16, #tpu.memory_space<vmem>>, %arg3: memref<128x128xbf16, #tpu.memory_space<vmem>>, %arg4: memref<16x128xbf16, #tpu.memory_space<vmem>>, %arg5: memref<1x128xf32, #tpu.memory_space<vmem>>, %arg6: memref<128x128xbf16, #tpu.memory_space<vmem>>, %arg7: memref<1x128xf32, #tpu.memory_space<vmem>>, %arg8: memref<128x128xbf16, #tpu.memory_space<vmem>>, %arg9: memref<1x128xf32, #tpu.memory_space<vmem>>, %arg10: memref<128x144xbf16, #tpu.memory_space<vmem>>, %arg11: memref<1x144xf32, #tpu.memory_space<vmem>>, %arg12: memref<144x128xbf16, #tpu.memory_space<vmem>>, %arg13: memref<1920x128xf32, #tpu.memory_space<vmem>>) attributes {dimension_semantics = [#tpu.dimension_semantics<arbitrary>], iteration_bounds = array<i64: 80>, scalar_prefetch = 0 : i64, scratch_operands = 0 : i64, tpu.core_type = #tpu.core_type<tc>, window_params = [{transform_indices = @transform_0, window_bounds = array<i64: 1920, 128>}, {transform_indices = @transform_1, window_bounds = array<i64: 1920, 16>}, {pipeline_mode = #tpu.pipeline_mode<synchronous>, transform_indices = @transform_2, window_bounds = array<i64: 128, 128>}, {pipeline_mode = #tpu.pipeline_mode<synchronous>, transform_indices = @transform_3, window_bounds = array<i64: 16, 128>}, {pipeline_mode = #tpu.pipeline_mode<synchronous>, transform_indices = @transform_4, window_bounds = array<i64: 1, 128>}, {pipeline_mode = #tpu.pipeline_mode<synchronous>, transform_indices = @transform_5, window_bounds = array<i64: 128, 128>}, {pipeline_mode = #tpu.pipeline_mode<synchronous>, transform_indices = @transform_6, window_bounds = array<i64: 1, 128>}, {pipeline_mode = #tpu.pipeline_mode<synchronous>, transform_indices = @transform_7, window_bounds = array<i64: 128, 128>}, {pipeline_mode = #tpu.pipeline_mode<synchronous>, transform_indices = @transform_8, window_bounds = array<i64: 1, 128>}, {pipeline_mode = #tpu.pipeline_mode<synchronous>, transform_indices = @transform_9, window_bounds = array<i64: 128, 144>}, {pipeline_mode = #tpu.pipeline_mode<synchronous>, transform_indices = @transform_10, window_bounds = array<i64: 1, 144>}, {pipeline_mode = #tpu.pipeline_mode<synchronous>, transform_indices = @transform_11, window_bounds = array<i64: 144, 128>}, {transform_indices = @transform_12, window_bounds = array<i64: 1920, 128>}]} {
    %get3A = arith.constant 0 : index
    %get3A_0 = arith.constant 0 : index
    %get3A_1 = vector.load %arg1[%get3A, %get3A_0] : memref<1920x128xf32, #tpu.memory_space<vmem>>, vector<1920x128xf32>
    %convert_element_type3A = arith.truncf %get3A_1 : vector<1920x128xf32> to vector<1920x128xbf16>
    %get3A_2 = arith.constant 0 : index
    %get3A_3 = arith.constant 0 : index
    %get3A_4 = vector.load %arg3[%get3A_2, %get3A_3] : memref<128x128xbf16, #tpu.memory_space<vmem>>, vector<128x128xbf16>
    %dot_general3A = arith.constant dense<0.000000e+00> : vector<1920x128xf32>
    %dot_general3A_5 = tpu.matmul %convert_element_type3A, %get3A_4, %dot_general3A {dimension_numbers = #tpu.dot_dimension_numbers<[1], [0], [0], [1], [0, 0, 1, 1], [], []>, transpose_lhs_hint = false} : vector<1920x128xbf16>, vector<128x128xbf16>, vector<1920x128xf32> -> vector<1920x128xf32>
    %get3A_6 = arith.constant 0 : index
    %get3A_7 = arith.constant 0 : index
    %get3A_8 = vector.load %arg2[%get3A_6, %get3A_7] : memref<1920x16xbf16, #tpu.memory_space<vmem>>, vector<1920x16xbf16>
    %get3A_9 = arith.constant 0 : index
    %get3A_10 = arith.constant 0 : index
    %get3A_11 = vector.load %arg4[%get3A_9, %get3A_10] : memref<16x128xbf16, #tpu.memory_space<vmem>>, vector<16x128xbf16>
    %dot_general3A_12 = arith.constant dense<0.000000e+00> : vector<1920x128xf32>
    %dot_general3A_13 = tpu.matmul %get3A_8, %get3A_11, %dot_general3A_12 {dimension_numbers = #tpu.dot_dimension_numbers<[1], [0], [0], [1], [0, 0, 1, 1], [], []>, transpose_lhs_hint = false} : vector<1920x16xbf16>, vector<16x128xbf16>, vector<1920x128xf32> -> vector<1920x128xf32>
    %add3A = arith.addf %dot_general3A_5, %dot_general3A_13 : vector<1920x128xf32>
    %get3A_14 = arith.constant 0 : index
    %get3A_15 = arith.constant 0 : index
    %get3A_16 = vector.load %arg5[%get3A_14, %get3A_15] : memref<1x128xf32, #tpu.memory_space<vmem>>, vector<1x128xf32>
    %add3A_17 = vector.broadcast %get3A_16 : vector<1x128xf32> to vector<1920x128xf32>
    %add3A_18 = arith.addf %add3A, %add3A_17 : vector<1920x128xf32>
    %max3A = arith.constant 0.000000e+00 : f32
    %max3A_19 = vector.broadcast %max3A : f32 to vector<1920x128xf32>
    %max3A_20 = arith.maximumf %add3A_18, %max3A_19 : vector<1920x128xf32>
    %convert_element_type3A_21 = arith.truncf %max3A_20 : vector<1920x128xf32> to vector<1920x128xbf16>
    %get3A_22 = arith.constant 0 : index
    %get3A_23 = arith.constant 0 : index
    %get3A_24 = vector.load %arg6[%get3A_22, %get3A_23] : memref<128x128xbf16, #tpu.memory_space<vmem>>, vector<128x128xbf16>
    %dot_general3A_25 = arith.constant dense<0.000000e+00> : vector<1920x128xf32>
    %dot_general3A_26 = tpu.matmul %convert_element_type3A_21, %get3A_24, %dot_general3A_25 {dimension_numbers = #tpu.dot_dimension_numbers<[1], [0], [0], [1], [0, 0, 1, 1], [], []>, transpose_lhs_hint = false} : vector<1920x128xbf16>, vector<128x128xbf16>, vector<1920x128xf32> -> vector<1920x128xf32>
    %get3A_27 = arith.constant 0 : index
    %get3A_28 = arith.constant 0 : index
    %get3A_29 = vector.load %arg7[%get3A_27, %get3A_28] : memref<1x128xf32, #tpu.memory_space<vmem>>, vector<1x128xf32>
    %add3A_30 = vector.broadcast %get3A_29 : vector<1x128xf32> to vector<1920x128xf32>
    %add3A_31 = arith.addf %dot_general3A_26, %add3A_30 : vector<1920x128xf32>
    %max3A_32 = arith.constant 0.000000e+00 : f32
    %max3A_33 = vector.broadcast %max3A_32 : f32 to vector<1920x128xf32>
    %max3A_34 = arith.maximumf %add3A_31, %max3A_33 : vector<1920x128xf32>
    %convert_element_type3A_35 = arith.truncf %max3A_34 : vector<1920x128xf32> to vector<1920x128xbf16>
    %get3A_36 = arith.constant 0 : index
    %get3A_37 = arith.constant 0 : index
    %get3A_38 = vector.load %arg8[%get3A_36, %get3A_37] : memref<128x128xbf16, #tpu.memory_space<vmem>>, vector<128x128xbf16>
    %dot_general3A_39 = arith.constant dense<0.000000e+00> : vector<1920x128xf32>
    %dot_general3A_40 = tpu.matmul %convert_element_type3A_35, %get3A_38, %dot_general3A_39 {dimension_numbers = #tpu.dot_dimension_numbers<[1], [0], [0], [1], [0, 0, 1, 1], [], []>, transpose_lhs_hint = false} : vector<1920x128xbf16>, vector<128x128xbf16>, vector<1920x128xf32> -> vector<1920x128xf32>
    %get3A_41 = arith.constant 0 : index
    %get3A_42 = arith.constant 0 : index
    %get3A_43 = vector.load %arg9[%get3A_41, %get3A_42] : memref<1x128xf32, #tpu.memory_space<vmem>>, vector<1x128xf32>
    %add3A_44 = vector.broadcast %get3A_43 : vector<1x128xf32> to vector<1920x128xf32>
    %add3A_45 = arith.addf %dot_general3A_40, %add3A_44 : vector<1920x128xf32>
    %max3A_46 = arith.constant 0.000000e+00 : f32
    %max3A_47 = vector.broadcast %max3A_46 : f32 to vector<1920x128xf32>
    %max3A_48 = arith.maximumf %add3A_45, %max3A_47 : vector<1920x128xf32>
    %convert_element_type3A_49 = arith.truncf %max3A_48 : vector<1920x128xf32> to vector<1920x128xbf16>
    %get3A_50 = arith.constant 0 : index
    %get3A_51 = arith.constant 0 : index
    %get3A_52 = vector.load %arg10[%get3A_50, %get3A_51] : memref<128x144xbf16, #tpu.memory_space<vmem>>, vector<128x144xbf16>
    %dot_general3A_53 = arith.constant dense<0.000000e+00> : vector<1920x144xf32>
    %dot_general3A_54 = tpu.matmul %convert_element_type3A_49, %get3A_52, %dot_general3A_53 {dimension_numbers = #tpu.dot_dimension_numbers<[1], [0], [0], [1], [0, 0, 1, 1], [], []>, transpose_lhs_hint = false} : vector<1920x128xbf16>, vector<128x144xbf16>, vector<1920x144xf32> -> vector<1920x144xf32>
    %get3A_55 = arith.constant 0 : index
    %get3A_56 = arith.constant 0 : index
    %get3A_57 = vector.load %arg11[%get3A_55, %get3A_56] : memref<1x144xf32, #tpu.memory_space<vmem>>, vector<1x144xf32>
    %add3A_58 = vector.broadcast %get3A_57 : vector<1x144xf32> to vector<1920x144xf32>
    %add3A_59 = arith.addf %dot_general3A_54, %add3A_58 : vector<1920x144xf32>
    %max3A_60 = arith.constant 0.000000e+00 : f32
    %max3A_61 = vector.broadcast %max3A_60 : f32 to vector<1920x144xf32>
    %max3A_62 = arith.maximumf %add3A_59, %max3A_61 : vector<1920x144xf32>
    %convert_element_type3A_63 = arith.truncf %max3A_62 : vector<1920x144xf32> to vector<1920x144xbf16>
    %get3A_64 = arith.constant 0 : index
    %get3A_65 = arith.constant 0 : index
    %get3A_66 = vector.load %arg12[%get3A_64, %get3A_65] : memref<144x128xbf16, #tpu.memory_space<vmem>>, vector<144x128xbf16>
    %dot_general3A_67 = arith.constant dense<0.000000e+00> : vector<1920x128xf32>
    %dot_general3A_68 = tpu.matmul %convert_element_type3A_63, %get3A_66, %dot_general3A_67 {dimension_numbers = #tpu.dot_dimension_numbers<[1], [0], [0], [1], [0, 0, 1, 1], [], []>, transpose_lhs_hint = false} : vector<1920x144xbf16>, vector<144x128xbf16>, vector<1920x128xf32> -> vector<1920x128xf32>
    %swap3A = arith.constant 0 : index
    %swap3A_69 = arith.constant 0 : index
    %swap3A_70 = vector.load %arg13[%swap3A, %swap3A_69] : memref<1920x128xf32, #tpu.memory_space<vmem>>, vector<1920x128xf32>
    tpu.vector_store %arg13[%swap3A, %swap3A_69], %dot_general3A_68 {strides = array<i32>} : memref<1920x128xf32, #tpu.memory_space<vmem>>, vector<1920x128xf32>,
    return
  }
  func.func @transform_0(%arg0: i32) -> (i32, i32) {
    %c0_i32 = arith.constant 0 : i32
    %c0_i32_0 = arith.constant 0 : i32
    return %arg0, %c0_i32 : i32, i32
  }
  func.func @transform_1(%arg0: i32) -> (i32, i32) {
    %c0_i32 = arith.constant 0 : i32
    %c0_i32_0 = arith.constant 0 : i32
    return %arg0, %c0_i32 : i32, i32
  }
  func.func @transform_2(%arg0: i32) -> (i32, i32) {
    %c0_i32 = arith.constant 0 : i32
    %c0_i32_0 = arith.constant 0 : i32
    %c0_i32_1 = arith.constant 0 : i32
    return %c0_i32, %c0_i32_0 : i32, i32
  }
  func.func @transform_3(%arg0: i32) -> (i32, i32) {
    %c0_i32 = arith.constant 0 : i32
    %c0_i32_0 = arith.constant 0 : i32
    %c0_i32_1 = arith.constant 0 : i32
    return %c0_i32, %c0_i32_0 : i32, i32
  }
  func.func @transform_4(%arg0: i32) -> (i32, i32) {
    %c0_i32 = arith.constant 0 : i32
    %c0_i32_0 = arith.constant 0 : i32
    %c0_i32_1 = arith.constant 0 : i32
    return %c0_i32, %c0_i32_0 : i32, i32
  }
  func.func @transform_5(%arg0: i32) -> (i32, i32) {
    %c0_i32 = arith.constant 0 : i32
    %c0_i32_0 = arith.constant 0 : i32
    %c0_i32_1 = arith.constant 0 : i32
    return %c0_i32, %c0_i32_0 : i32, i32
  }
  func.func @transform_6(%arg0: i32) -> (i32, i32) {
    %c0_i32 = arith.constant 0 : i32
    %c0_i32_0 = arith.constant 0 : i32
    %c0_i32_1 = arith.constant 0 : i32
    return %c0_i32, %c0_i32_0 : i32, i32
  }
  func.func @transform_7(%arg0: i32) -> (i32, i32) {
    %c0_i32 = arith.constant 0 : i32
    %c0_i32_0 = arith.constant 0 : i32
    %c0_i32_1 = arith.constant 0 : i32
    return %c0_i32, %c0_i32_0 : i32, i32
  }
  func.func @transform_8(%arg0: i32) -> (i32, i32) {
    %c0_i32 = arith.constant 0 : i32
    %c0_i32_0 = arith.constant 0 : i32
    %c0_i32_1 = arith.constant 0 : i32
    return %c0_i32, %c0_i32_0 : i32, i32
  }
  func.func @transform_9(%arg0: i32) -> (i32, i32) {
    %c0_i32 = arith.constant 0 : i32
    %c0_i32_0 = arith.constant 0 : i32
    %c0_i32_1 = arith.constant 0 : i32
    return %c0_i32, %c0_i32_0 : i32, i32
  }
  func.func @transform_10(%arg0: i32) -> (i32, i32) {
    %c0_i32 = arith.constant 0 : i32
    %c0_i32_0 = arith.constant 0 : i32
    %c0_i32_1 = arith.constant 0 : i32
    return %c0_i32, %c0_i32_0 : i32, i32
  }
  func.func @transform_11(%arg0: i32) -> (i32, i32) {
    %c0_i32 = arith.constant 0 : i32
    %c0_i32_0 = arith.constant 0 : i32
    %c0_i32_1 = arith.constant 0 : i32
    return %c0_i32, %c0_i32_0 : i32, i32
  }
  func.func @transform_12(%arg0: i32) -> (i32, i32) {
    %c0_i32 = arith.constant 0 : i32
    %c0_i32_0 = arith.constant 0 : i32
    return %arg0, %c0_i32 : i32, i32
  }
}

module attributes {stable_mosaic.version = 14 : i64} {
  func.func @body(%arg0: i32, %arg1: memref<2048x128xf32, #tpu.memory_space<vmem>>, %arg2: memref<2048x128xf32, #tpu.memory_space<vmem>>, %arg3: memref<64x2048xf32, #tpu.memory_space<vmem>>, %arg4: memref<64x1xf32, #tpu.memory_space<vmem>>, %arg5: memref<1x16xf32, #tpu.memory_space<vmem>>, %arg6: memref<128x128xf32, #tpu.memory_space<vmem>>, %arg7: memref<16x128xf32, #tpu.memory_space<vmem>>, %arg8: memref<1x128xf32, #tpu.memory_space<vmem>>, %arg9: memref<128x128xf32, #tpu.memory_space<vmem>>, %arg10: memref<1x128xf32, #tpu.memory_space<vmem>>, %arg11: memref<128x128xf32, #tpu.memory_space<vmem>>, %arg12: memref<1x128xf32, #tpu.memory_space<vmem>>, %arg13: memref<128x128xf32, #tpu.memory_space<vmem>>, %arg14: memref<1x128xf32, #tpu.memory_space<vmem>>, %arg15: memref<2048x128xf32, #tpu.memory_space<vmem>>) attributes {dimension_semantics = [#tpu.dimension_semantics<arbitrary>], iteration_bounds = array<i64: 5>, scalar_prefetch = 0 : i64, scratch_operands = 0 : i64, tpu.core_type = #tpu.core_type<tc>, window_params = [{transform_indices = @transform_0, window_bounds = array<i64: 2048, 128>}, {transform_indices = @transform_1, window_bounds = array<i64: 2048, 128>}, {transform_indices = @transform_2, window_bounds = array<i64: 64, 2048>}, {pipeline_mode = #tpu.pipeline_mode<synchronous>, transform_indices = @transform_3, window_bounds = array<i64: 64, 1>}, {pipeline_mode = #tpu.pipeline_mode<synchronous>, transform_indices = @transform_4, window_bounds = array<i64: 1, 16>}, {pipeline_mode = #tpu.pipeline_mode<synchronous>, transform_indices = @transform_5, window_bounds = array<i64: 128, 128>}, {pipeline_mode = #tpu.pipeline_mode<synchronous>, transform_indices = @transform_6, window_bounds = array<i64: 16, 128>}, {pipeline_mode = #tpu.pipeline_mode<synchronous>, transform_indices = @transform_7, window_bounds = array<i64: 1, 128>}, {pipeline_mode = #tpu.pipeline_mode<synchronous>, transform_indices = @transform_8, window_bounds = array<i64: 128, 128>}, {pipeline_mode = #tpu.pipeline_mode<synchronous>, transform_indices = @transform_9, window_bounds = array<i64: 1, 128>}, {pipeline_mode = #tpu.pipeline_mode<synchronous>, transform_indices = @transform_10, window_bounds = array<i64: 128, 128>}, {pipeline_mode = #tpu.pipeline_mode<synchronous>, transform_indices = @transform_11, window_bounds = array<i64: 1, 128>}, {pipeline_mode = #tpu.pipeline_mode<synchronous>, transform_indices = @transform_12, window_bounds = array<i64: 128, 128>}, {pipeline_mode = #tpu.pipeline_mode<synchronous>, transform_indices = @transform_13, window_bounds = array<i64: 1, 128>}, {transform_indices = @transform_14, window_bounds = array<i64: 2048, 128>}]} {
    %get3A = arith.constant 0 : index
    %get3A_0 = arith.constant 0 : index
    %get3A_1 = vector.load %arg2[%get3A, %get3A_0] : memref<2048x128xf32, #tpu.memory_space<vmem>>, vector<2048x128xf32>
    %get3A_2 = arith.constant 0 : index
    %get3A_3 = arith.constant 0 : index
    %get3A_4 = vector.load %arg3[%get3A_2, %get3A_3] : memref<64x2048xf32, #tpu.memory_space<vmem>>, vector<64x2048xf32>
    %get3A_5 = arith.constant 0 : index
    %get3A_6 = arith.constant 0 : index
    %get3A_7 = vector.load %arg4[%get3A_5, %get3A_6] : memref<64x1xf32, #tpu.memory_space<vmem>>, vector<64x1xf32>
    %dot_general3A = arith.constant dense<0.000000e+00> : vector<2048x1xf32>
    %dot_general3A_8 = tpu.matmul %get3A_4, %get3A_7, %dot_general3A {dimension_numbers = #tpu.dot_dimension_numbers<[0], [0], [1], [1], [0, 1, 1, 1], [], []>, transpose_lhs_hint = false} : vector<64x2048xf32>, vector<64x1xf32>, vector<2048x1xf32> -> vector<2048x1xf32>
    %max3A = arith.constant 1.000000e+00 : f32
    %max3A_9 = vector.broadcast %max3A : f32 to vector<2048x1xf32>
    %max3A_10 = arith.maximumf %dot_general3A_8, %max3A_9 : vector<2048x1xf32>
    %div3A = arith.constant 1.000000e+00 : f32
    %div3A_11 = vector.broadcast %div3A : f32 to vector<2048x1xf32>
    %div3A_12 = arith.divf %div3A_11, %max3A_10 : vector<2048x1xf32>
    %mul3A = vector.broadcast %div3A_12 : vector<2048x1xf32> to vector<2048x128xf32>
    %mul3A_13 = arith.mulf %get3A_1, %mul3A : vector<2048x128xf32>
    %get3A_14 = arith.constant 0 : index
    %get3A_15 = arith.constant 0 : index
    %get3A_16 = vector.load %arg5[%get3A_14, %get3A_15] : memref<1x16xf32, #tpu.memory_space<vmem>>, vector<1x16xf32>
    %get3A_17 = arith.constant 0 : index
    %get3A_18 = arith.constant 0 : index
    %get3A_19 = vector.load %arg7[%get3A_17, %get3A_18] : memref<16x128xf32, #tpu.memory_space<vmem>>, vector<16x128xf32>
    %dot_general3A_20 = arith.constant dense<0.000000e+00> : vector<1x128xf32>
    %dot_general3A_21 = tpu.matmul %get3A_16, %get3A_19, %dot_general3A_20 {dimension_numbers = #tpu.dot_dimension_numbers<[1], [0], [0], [1], [0, 0, 1, 1], [], []>, transpose_lhs_hint = false} : vector<1x16xf32>, vector<16x128xf32>, vector<1x128xf32> -> vector<1x128xf32>
    %get3A_22 = arith.constant 0 : index
    %get3A_23 = arith.constant 0 : index
    %get3A_24 = vector.load %arg8[%get3A_22, %get3A_23] : memref<1x128xf32, #tpu.memory_space<vmem>>, vector<1x128xf32>
    %add3A = arith.addf %dot_general3A_21, %get3A_24 : vector<1x128xf32>
    %get3A_25 = arith.constant 0 : index
    %get3A_26 = arith.constant 0 : index
    %get3A_27 = vector.load %arg1[%get3A_25, %get3A_26] : memref<2048x128xf32, #tpu.memory_space<vmem>>, vector<2048x128xf32>
    %convert_element_type3A = arith.truncf %get3A_27 : vector<2048x128xf32> to vector<2048x128xbf16>
    %get3A_28 = arith.constant 0 : index
    %get3A_29 = arith.constant 0 : index
    %get3A_30 = vector.load %arg6[%get3A_28, %get3A_29] : memref<128x128xf32, #tpu.memory_space<vmem>>, vector<128x128xf32>
    %convert_element_type3A_31 = arith.truncf %get3A_30 : vector<128x128xf32> to vector<128x128xbf16>
    %dot_general3A_32 = arith.constant dense<0.000000e+00> : vector<2048x128xf32>
    %dot_general3A_33 = tpu.matmul %convert_element_type3A, %convert_element_type3A_31, %dot_general3A_32 {dimension_numbers = #tpu.dot_dimension_numbers<[1], [0], [0], [1], [0, 0, 1, 1], [], []>, transpose_lhs_hint = false} : vector<2048x128xbf16>, vector<128x128xbf16>, vector<2048x128xf32> -> vector<2048x128xf32>
    %add3A_34 = arith.addf %dot_general3A_33, %mul3A_13 : vector<2048x128xf32>
    %add3A_35 = vector.broadcast %add3A : vector<1x128xf32> to vector<2048x128xf32>
    %add3A_36 = arith.addf %add3A_34, %add3A_35 : vector<2048x128xf32>
    %max3A_37 = arith.constant 0.000000e+00 : f32
    %max3A_38 = vector.broadcast %max3A_37 : f32 to vector<2048x128xf32>
    %max3A_39 = arith.maximumf %add3A_36, %max3A_38 : vector<2048x128xf32>
    %convert_element_type3A_40 = arith.truncf %max3A_39 : vector<2048x128xf32> to vector<2048x128xbf16>
    %get3A_41 = arith.constant 0 : index
    %get3A_42 = arith.constant 0 : index
    %get3A_43 = vector.load %arg9[%get3A_41, %get3A_42] : memref<128x128xf32, #tpu.memory_space<vmem>>, vector<128x128xf32>
    %convert_element_type3A_44 = arith.truncf %get3A_43 : vector<128x128xf32> to vector<128x128xbf16>
    %dot_general3A_45 = arith.constant dense<0.000000e+00> : vector<2048x128xf32>
    %dot_general3A_46 = tpu.matmul %convert_element_type3A_40, %convert_element_type3A_44, %dot_general3A_45 {dimension_numbers = #tpu.dot_dimension_numbers<[1], [0], [0], [1], [0, 0, 1, 1], [], []>, transpose_lhs_hint = false} : vector<2048x128xbf16>, vector<128x128xbf16>, vector<2048x128xf32> -> vector<2048x128xf32>
    %get3A_47 = arith.constant 0 : index
    %get3A_48 = arith.constant 0 : index
    %get3A_49 = vector.load %arg10[%get3A_47, %get3A_48] : memref<1x128xf32, #tpu.memory_space<vmem>>, vector<1x128xf32>
    %add3A_50 = vector.broadcast %get3A_49 : vector<1x128xf32> to vector<2048x128xf32>
    %add3A_51 = arith.addf %dot_general3A_46, %add3A_50 : vector<2048x128xf32>
    %max3A_52 = arith.constant 0.000000e+00 : f32
    %max3A_53 = vector.broadcast %max3A_52 : f32 to vector<2048x128xf32>
    %max3A_54 = arith.maximumf %add3A_51, %max3A_53 : vector<2048x128xf32>
    %convert_element_type3A_55 = arith.truncf %max3A_54 : vector<2048x128xf32> to vector<2048x128xbf16>
    %get3A_56 = arith.constant 0 : index
    %get3A_57 = arith.constant 0 : index
    %get3A_58 = vector.load %arg11[%get3A_56, %get3A_57] : memref<128x128xf32, #tpu.memory_space<vmem>>, vector<128x128xf32>
    %convert_element_type3A_59 = arith.truncf %get3A_58 : vector<128x128xf32> to vector<128x128xbf16>
    %dot_general3A_60 = arith.constant dense<0.000000e+00> : vector<2048x128xf32>
    %dot_general3A_61 = tpu.matmul %convert_element_type3A_55, %convert_element_type3A_59, %dot_general3A_60 {dimension_numbers = #tpu.dot_dimension_numbers<[1], [0], [0], [1], [0, 0, 1, 1], [], []>, transpose_lhs_hint = false} : vector<2048x128xbf16>, vector<128x128xbf16>, vector<2048x128xf32> -> vector<2048x128xf32>
    %get3A_62 = arith.constant 0 : index
    %get3A_63 = arith.constant 0 : index
    %get3A_64 = vector.load %arg12[%get3A_62, %get3A_63] : memref<1x128xf32, #tpu.memory_space<vmem>>, vector<1x128xf32>
    %add3A_65 = vector.broadcast %get3A_64 : vector<1x128xf32> to vector<2048x128xf32>
    %add3A_66 = arith.addf %dot_general3A_61, %add3A_65 : vector<2048x128xf32>
    %max3A_67 = arith.constant 0.000000e+00 : f32
    %max3A_68 = vector.broadcast %max3A_67 : f32 to vector<2048x128xf32>
    %max3A_69 = arith.maximumf %add3A_66, %max3A_68 : vector<2048x128xf32>
    %convert_element_type3A_70 = arith.truncf %max3A_69 : vector<2048x128xf32> to vector<2048x128xbf16>
    %get3A_71 = arith.constant 0 : index
    %get3A_72 = arith.constant 0 : index
    %get3A_73 = vector.load %arg13[%get3A_71, %get3A_72] : memref<128x128xf32, #tpu.memory_space<vmem>>, vector<128x128xf32>
    %convert_element_type3A_74 = arith.truncf %get3A_73 : vector<128x128xf32> to vector<128x128xbf16>
    %dot_general3A_75 = arith.constant dense<0.000000e+00> : vector<2048x128xf32>
    %dot_general3A_76 = tpu.matmul %convert_element_type3A_70, %convert_element_type3A_74, %dot_general3A_75 {dimension_numbers = #tpu.dot_dimension_numbers<[1], [0], [0], [1], [0, 0, 1, 1], [], []>, transpose_lhs_hint = false} : vector<2048x128xbf16>, vector<128x128xbf16>, vector<2048x128xf32> -> vector<2048x128xf32>
    %get3A_77 = arith.constant 0 : index
    %get3A_78 = arith.constant 0 : index
    %get3A_79 = vector.load %arg14[%get3A_77, %get3A_78] : memref<1x128xf32, #tpu.memory_space<vmem>>, vector<1x128xf32>
    %add3A_80 = vector.broadcast %get3A_79 : vector<1x128xf32> to vector<2048x128xf32>
    %add3A_81 = arith.addf %dot_general3A_76, %add3A_80 : vector<2048x128xf32>
    %swap3A = arith.constant 0 : index
    %swap3A_82 = arith.constant 0 : index
    %swap3A_83 = vector.load %arg15[%swap3A, %swap3A_82] : memref<2048x128xf32, #tpu.memory_space<vmem>>, vector<2048x128xf32>
    tpu.vector_store %arg15[%swap3A, %swap3A_82], %add3A_81 {strides = array<i32>} : memref<2048x128xf32, #tpu.memory_space<vmem>>, vector<2048x128xf32>,
    return
  }
  func.func @transform_0(%arg0: i32) -> (i32, i32) {
    %c0_i32 = arith.constant 0 : i32
    %c0_i32_0 = arith.constant 0 : i32
    return %arg0, %c0_i32 : i32, i32
  }
  func.func @transform_1(%arg0: i32) -> (i32, i32) {
    %c0_i32 = arith.constant 0 : i32
    %c0_i32_0 = arith.constant 0 : i32
    return %arg0, %c0_i32 : i32, i32
  }
  func.func @transform_2(%arg0: i32) -> (i32, i32) {
    %c0_i32 = arith.constant 0 : i32
    %c0_i32_0 = arith.constant 0 : i32
    return %c0_i32, %arg0 : i32, i32
  }
  func.func @transform_3(%arg0: i32) -> (i32, i32) {
    %c0_i32 = arith.constant 0 : i32
    %c0_i32_0 = arith.constant 0 : i32
    %c0_i32_1 = arith.constant 0 : i32
    return %c0_i32, %c0_i32_0 : i32, i32
  }
  func.func @transform_4(%arg0: i32) -> (i32, i32) {
    %c0_i32 = arith.constant 0 : i32
    %c0_i32_0 = arith.constant 0 : i32
    %c0_i32_1 = arith.constant 0 : i32
    return %c0_i32, %c0_i32_0 : i32, i32
  }
  func.func @transform_5(%arg0: i32) -> (i32, i32) {
    %c0_i32 = arith.constant 0 : i32
    %c0_i32_0 = arith.constant 0 : i32
    %c0_i32_1 = arith.constant 0 : i32
    return %c0_i32, %c0_i32_0 : i32, i32
  }
  func.func @transform_6(%arg0: i32) -> (i32, i32) {
    %c0_i32 = arith.constant 0 : i32
    %c0_i32_0 = arith.constant 0 : i32
    %c0_i32_1 = arith.constant 0 : i32
    return %c0_i32, %c0_i32_0 : i32, i32
  }
  func.func @transform_7(%arg0: i32) -> (i32, i32) {
    %c0_i32 = arith.constant 0 : i32
    %c0_i32_0 = arith.constant 0 : i32
    %c0_i32_1 = arith.constant 0 : i32
    return %c0_i32, %c0_i32_0 : i32, i32
  }
  func.func @transform_8(%arg0: i32) -> (i32, i32) {
    %c0_i32 = arith.constant 0 : i32
    %c0_i32_0 = arith.constant 0 : i32
    %c0_i32_1 = arith.constant 0 : i32
    return %c0_i32, %c0_i32_0 : i32, i32
  }
  func.func @transform_9(%arg0: i32) -> (i32, i32) {
    %c0_i32 = arith.constant 0 : i32
    %c0_i32_0 = arith.constant 0 : i32
    %c0_i32_1 = arith.constant 0 : i32
    return %c0_i32, %c0_i32_0 : i32, i32
  }
  func.func @transform_10(%arg0: i32) -> (i32, i32) {
    %c0_i32 = arith.constant 0 : i32
    %c0_i32_0 = arith.constant 0 : i32
    %c0_i32_1 = arith.constant 0 : i32
    return %c0_i32, %c0_i32_0 : i32, i32
  }
  func.func @transform_11(%arg0: i32) -> (i32, i32) {
    %c0_i32 = arith.constant 0 : i32
    %c0_i32_0 = arith.constant 0 : i32
    %c0_i32_1 = arith.constant 0 : i32
    return %c0_i32, %c0_i32_0 : i32, i32
  }
  func.func @transform_12(%arg0: i32) -> (i32, i32) {
    %c0_i32 = arith.constant 0 : i32
    %c0_i32_0 = arith.constant 0 : i32
    %c0_i32_1 = arith.constant 0 : i32
    return %c0_i32, %c0_i32_0 : i32, i32
  }
  func.func @transform_13(%arg0: i32) -> (i32, i32) {
    %c0_i32 = arith.constant 0 : i32
    %c0_i32_0 = arith.constant 0 : i32
    %c0_i32_1 = arith.constant 0 : i32
    return %c0_i32, %c0_i32_0 : i32, i32
  }
  func.func @transform_14(%arg0: i32) -> (i32, i32) {
    %c0_i32 = arith.constant 0 : i32
    %c0_i32_0 = arith.constant 0 : i32
    return %arg0, %c0_i32 : i32, i32
  }
}

</mosaic_0001>

<sc_bundles>
// kernel: kernel.11.cloned.1.call-start
scs
__scs_entry_jumppad:
0x0: {  	(pc) =	sbr.rel $0x88, $3  }
0x1: {  	(tag) =	ssettag $0x0;
	lr =	simm.s32 $0x1  }
0x2: {  	[smem:$0x3F8D] =	sst lr;
	_ =	strace $0xD0000000  }
0x3: {  	_ = 	snop  }
0x4: {  	_ = 	snop  }
0x5: {  	_ = 	snop  }
0x6: {  	_ = 	snop  }
0x7: {  	_ = 	snop  }
__scs_overlays_trampoline_lowered:
0x8: {  	[smem:$0x3F9C] =	sst s0  }
0x9: {  	[smem:$0x3F9D] =	sst s1  }
0xa: {  	[smem:$0x3F9E] =	sst s2  }
0xb: {  	[smem:$0x3F9F] =	sst s3  }
0xc: {  	[smem:$0x3FA0] =	sst s4  }
0xd: {  	[smem:$0x3FA1] =	sst s5  }
0xe: {  	[smem:$0x3FA2] =	sst s6  }
0xf: {  	[smem:$0x3FA3] =	sst s7  }
0x10: {  	[smem:$0x3FA4] =	sst s8  }
0x11: {  	[smem:$0x3FA5] =	sst s9;
	s0 =	simm.s32 @!p0 $0x0  }
0x12: {  	s1 =	sld [smem:$0x3F8B];
	s0 =	simm.s32 @p0 $0x1  }
0x13: {  	[smem:$0x3FA6] =	sst s0;
	s0 =	simm.s32 @!p1 $0x0  }
0x14: {  	s2 =	sld [smem:$0x3F8A];
	s0 =	simm.s32 @p1 $0x1  }
0x15: {  	[smem:$0x3FA7] =	sst s0;
	s0 =	simm.s32 @!p2 $0x0  }
0x16: {  	s3 =	sld [smem:$0x3FDB];
	s0 =	simm.s32 @p2 $0x1  }
0x17: {  	s4 =	simm.s32 $0x1BF5;
	[smem:$0x3FA9] =	sst s0  }
0x18: {  	s0 =	sld [smem:$0x3F8C];
	_ =	swait.ge [sflag:s4], $0x0  }
0x19: {  	s7 =	sld [smem:$0x3F8D]  }
0x1a: {  	s8 =	sadd.s32 $0xFFFFE003, lr  }
0x1b: {  	s9 =	sadd.s32 $0xFFFFFEF7, lr;
	s5 =	simm.s32 $0xFFFFFFFF;
	p2 =	slt.u32 s8, $0xFFFFF086  }
0x1c: {  	p1 =	slt.u32 s9, $0xF7A;
	s5 =	simm.s32 @!p2 $0x0  }
0x1d: {  	s5 =	simm.s32 @p1 $0x1;
	p0 =	seq.s32 s7, s2  }
0x1e: {  	s7 =	smul.u32 @!p0 $0xF7A, s2;
	p2 =	seq.s32 @!p0 s5, $0x0  }
0x1f: {  	s9 =	smul.u32 $0xF7A, s1;
	s8 =	simm.s32 @!p0 $0x1BF5;
	p2 =	por !p2, p0  }
0x20: {  	[sflag:s8] =	ssyncset.s32 @!p0 $0xFFFFF086;
	s6 =	sadd.s32 @!p0 s3, s7;
	s7 =	simm.s32 @!p0 $0x108  }
0x21: {  	s3 =	sadd.s32 s3, s9;
	s6 =	sadd.s32 @!p0 $0x88, s6;
	s7 =	simm.s32 @p2 $0x1082  }
0x22: {  	[simem:s7], [sflag:s8] =	dma.local @!p0 [hbm:s6], $0xF7A  }
0x23: {  	s9 =	sor.u32 $0xD0000000, s2;
	s6 =	simm.s32 $0x108;
	_ =	swait.ge @!p0 [sflag:s8], $0x0  }
0x24: {  	s3 =	sadd.s32 $0x88, s3;
	s6 =	simm.s32 @!p1 $0x1082;
	[sflag:s4] =	ssyncset.s32 $0xFFFFF086  }
0x25: {  	[simem:s6], [sflag:s4] =	dma.local [hbm:s3], $0xF7A  }
0x26: {  	[smem:$0x3F8D] =	sst s1;
	(tag) =	ssettag s2;
	_ =	strace s9  }
0x27: {  	s1 =	sld [smem:$0x3F9D]  }
0x28: {  	s2 =	sld [smem:$0x3F9E]  }
0x29: {  	s4 =	sld [smem:$0x3FA0]  }
0x2a: {  	p0 =	seq.s32 s5, $0x0;
	s5 =	sld [smem:$0x3FA1]  }
0x2b: {  	s6 =	sld [smem:$0x3FA2]  }
0x2c: {  	s7 =	sld [smem:$0x3FA3]  }
0x2d: {  	s3 =	simm.s32 $0x108;
	s8 =	sld [smem:$0x3FA4]  }
0x2e: {  	s3 =	simm.s32 @!p0 $0x1082;
	s9 =	sld [smem:$0x3FA5]  }
0x2f: {  	lr =	sadd.s32 s0, s3;
	s0 =	sld [smem:$0x3F9C]  }
0x30: {  	s3 =	sld [smem:$0x3F9F]  }
0x31: {  	[smem:$0x3FA8] =	sst s10  }
0x32: {  	s10 =	sld [smem:$0x3FA6];
	_ =	sdelay $0x3  }
0x33: {  	p0 =	seq.s32 s10, $0x1;
	s10 =	sld [smem:$0x3FA8];
	_ =	sdelay $0x3  }
0x34: {  	[smem:$0x3FA8] =	sst s10  }
0x35: {  	s10 =	sld [smem:$0x3FA7];
	_ =	sdelay $0x3  }
0x36: {  	p1 =	seq.s32 s10, $0x1;
	s10 =	sld [smem:$0x3FA8];
	_ =	sdelay $0x3  }
0x37: {  	[smem:$0x3FA8] =	sst s10  }
0x38: {  	s10 =	sld [smem:$0x3FA9]  }
0x39: {  	_ = 	snop;
	(pc) =	sbr.ind lr, $3  }
0x3a: {  	_ = 	snop  }
0x3b: {  	_ = 	snop  }
0x3c: {  	p2 =	seq.s32 s10, $0x1;
	s10 =	sld [smem:$0x3FA8]  }
0x3d: {  	_ =	shalt  }
0x3e: {  	_ =	shalt  }
0x3f: {  	_ =	shalt  }
0x40: {  	_ =	shalt  }
0x41: {  	_ =	shalt  }
0x42: {  	_ =	shalt  }
0x43: {  	_ =	shalt  }
0x44: {  	_ =	shalt  }
0x45: {  	_ =	shalt  }
0x46: {  	_ =	shalt  }
0x47: {  	_ =	shalt  }
0x48: {  	_ =	shalt  }
0x49: {  	_ =	shalt  }
0x4a: {  	_ =	shalt  }
0x4b: {  	_ =	shalt  }
0x4c: {  	_ =	shalt  }
0x4d: {  	_ =	shalt  }
0x4e: {  	_ =	shalt  }
0x4f: {  	_ =	shalt  }
0x50: {  	_ =	shalt  }
0x51: {  	_ =	shalt  }
0x52: {  	_ =	shalt  }
0x53: {  	_ =	shalt  }
0x54: {  	_ =	shalt  }
0x55: {  	_ =	shalt  }
0x56: {  	_ =	shalt  }
0x57: {  	_ =	shalt  }
0x58: {  	_ =	shalt  }
0x59: {  	_ =	shalt  }
0x5a: {  	_ =	shalt  }
0x5b: {  	_ =	shalt  }
0x5c: {  	_ =	shalt  }
0x5d: {  	_ =	shalt  }
0x5e: {  	_ =	shalt  }
0x5f: {  	_ =	shalt  }
0x60: {  	_ =	shalt  }
0x61: {  	_ =	shalt  }
0x62: {  	_ =	shalt  }
0x63: {  	_ =	shalt  }
0x64: {  	_ =	shalt  }
0x65: {  	_ =	shalt  }
0x66: {  	_ =	shalt  }
0x67: {  	_ =	shalt  }
0x68: {  	_ =	shalt  }
0x69: {  	_ =	shalt  }
0x6a: {  	_ =	shalt  }
0x6b: {  	_ =	shalt  }
0x6c: {  	_ =	shalt  }
0x6d: {  	_ =	shalt  }
0x6e: {  	_ =	shalt  }
0x6f: {  	_ =	shalt  }
0x70: {  	_ =	shalt  }
0x71: {  	_ =	shalt  }
0x72: {  	_ =	shalt  }
0x73: {  	_ =	shalt  }
0x74: {  	_ =	shalt  }
0x75: {  	_ =	shalt  }
0x76: {  	_ =	shalt  }
0x77: {  	_ =	shalt  }
0x78: {  	_ =	shalt  }
0x79: {  	_ =	shalt  }
0x7a: {  	_ =	shalt  }
0x7b: {  	_ =	shalt  }
0x7c: {  	_ =	shalt  }
0x7d: {  	_ =	shalt  }
0x7e: {  	_ =	shalt  }
0x7f: {  	_ =	shalt  }
0x80: {  	_ =	shalt  }
0x81: {  	_ =	shalt  }
0x82: {  	_ =	shalt  }
0x83: {  	_ =	shalt  }
0x84: {  	_ =	shalt  }
0x85: {  	_ =	shalt  }
0x86: {  	_ =	shalt  }
0x87: {  	_ =	shalt  }
.Lfunc_end0:
.L_simem_size_0:
called_computation.1_lowered:
.L_overlay_start_0:
0x88: {  	s2 =	sld [smem:$0x3FD9]  }
0x89: {  	s3 =	sld [smem:$0x3FFE];
	_ =	sdelay $0x1  }
0x8a: {  	s1 =	srdreg.scid  }
0x8b: {  	s0 =	sand.u32 $0x1, s1  }
0x8c: {  	s17 =	sshll.u32 s0, $0xA;
	s2 =	sadd.s32 s3, s2  }
0x8d: {  	s2 =	sadd.s32 s2, s17  }
0x8e: {  	[smem:$0x3FB4] =	sst s2  }
0x8f: {  	_ = 	snop  }
0x90: {  	s2 =	sld [smem:$0x3FC9];
	(tm) =	ssettm $0x1  }
0x91: {  	s18 =	sld [smem:$0x3FFB];
	_ =	sdelay $0x3  }
0x92: {  	_ =	strace s18  }
0x93: {  	s3 =	sld [smem:$0x3FFC];
	_ =	sdelay $0x3  }
0x94: {  	_ =	strace s3  }
0x95: {  	s3 =	sld [smem:$0x3FFD];
	_ =	sdelay $0x3  }
0x96: {  	_ =	strace s3  }
0x97: {  	_ =	strace $0x8FFFFFFF  }
0x98: {  	s19 =	sld [smem:$0x3FDB];
	_ =	sdelay $0x1  }
0x99: {  	s4 =	simm.s32 $_scs_section_size  }
0x9a: {  	s5 =	simm.s32 $_size__tile_overlayer_lowered;
	s6 =	simm.s32 $_tile_overlayer_lowered  }
0x9b: {  	s22 =	simm.s32 $0x1BFF;
	s21 =	sshll.u32 s6, $0x1;
	s3 =	sadd.s32 s4, s19  }
0x9c: {  	s7 =	simm.s32 $0x0;
	s20 =	sshll.u32 s5, $0x1;
	s5 =	sadd.s32 s21, s3  }
0x9d: {  	[timem:s7], [sflag:s22] =	dma.local [hbm:s5], s20  }
0x9e: {  	_ =	swait.ge [sflag:s22], s20  }
0x9f: {  	s4 =	ssub.s32 $0x0, s20;
	[sflag:s22] =	ssyncset.done $0x0  }
0xa0: {  	[sflag:s22] =	ssyncadd.s32 s4;
	_ =	sdelay $0x1  }
0xa1: {  	s23 =	simm.s32 $0x1B8B  }
0xa2: {  	_ =	swait.ge [sflag:s23], $0x1  }
0xa3: {  	[sflag:s23] =	ssyncset.done $0x0  }
0xa4: {  	s25 =	simm.s32 $0x1B8E;
	s24 =	sld [smem:$0x3FFE];
	[sflag:s23] =	ssyncadd.s32 $0xFFFFFFFF  }
0xa5: {  	s26 =	simm.s32 $execute0_lowered;
	[smem:$0x3FD2] =	sst s25  }
0xa6: {  	s5 =	sshll.u32 s26, $0x1;
	_ =	strace $0x80000046;
	[dreg:$0x1] =	wrdreg $0xFFFFFFFF  }
0xa7: {  	s28 =	simm.s32 $_size_execute0_lowered;
	s3 =	sadd.s32 s3, s5;
	[dreg:$0x0] =	wrdreg $0x0  }
0xa8: {  	s5 =	sshll.u32 s28, $0x1;
	[dreg:$0x2] =	wrdreg s3  }
0xa9: {  	[dreg:$0x3] =	wrdreg s5  }
0xaa: {  	[dreg:$0x4] =	wrdreg $0xC0  }
0xab: {  	_ =	task [dreg:s7], $0x5FFFF  }
0xac: {  	[dreg:$0x1] =	wrdreg $0xFFFFFFFF  }
0xad: {  	[dreg:$0x0] =	wrdreg $0x60  }
0xae: {  	[dreg:$0x2] =	wrdreg s2  }
0xaf: {  	[dreg:$0x3] =	wrdreg s24  }
0xb0: {  	[dreg:$0x4] =	wrdreg $0xA  }
0xb1: {  	_ =	task.clear_ibuf [dreg:s7], $0x5FFFF;
	_ =	strace $0x90000046  }
0xb2: {  	s29 =	simm.s32 $0xA;
	_ =	strace $0x80000048  }
0xb3: {  	_ =	swait.ge [sflag:s29], $0x1  }
0xb4: {  	[sflag:s29] =	ssyncadd.s32 $0xFFFFFFFF  }
0xb5: {  	_ =	strace $0x90000048  }
0xb6: {  	_ =	sfence  }
0xb7: {  	s30 =	sld [smem:$0x0];
	_ =	sdelay $0x2  }
0xb8: {  	s31 =	sshll.u32 s1, $0xD;
	s1 =	sshrl.u32 s1, $0x2  }
0xb9: {  	s3 =	sand.u32 $0x4000, s31;
	s1 =	sadd.s32 s1, s30  }
0xba: {  	s0 =	sor.u32 s3, s0;
	s1 =	sshll.u32 s1, $0x11  }
0xbb: {  	s0 =	sor.u32 s1, s0  }
0xbc: {  	s0 =	sadd.s32 $0x8F2B, s0  }
0xbd: {  	[sflag:s0] =	ssyncadd.remote.s32 $0x1  }
0xbe: {  	_ =	sfence.sel $0xFFFF  }
0xbf: {  	[dreg:$0x0] =	wrdreg $0xFFFFFFFF;
	(pc) =	sbr.abs _section_cstart, $3  }
0xc0: {  	[dreg:$0x1] =	wrdreg $0xFFFFFFFF  }
0xc1: {  	_ =	task.clear_ibuf [dreg:s7], $0x2FFFF;
	_ =	strace $0x9FFFFFFF  }
0xc2: {  	(tm) =	ssettm $0x7FFFFFFF  }
0xc3: {  	_ =	shalt  }
tec
execute0_lowered:
.L_overlay_start_1:
0x0: {  	(tag) =	ssettag $0x1  }
0x1: {  	s2 =	rddreg [dreg:$0x0];
	s1 =	srdreg.scid  }
0x2: {  	s0 =	stileid.u32;
	s4 =	rddreg [dreg:$0x1];
	s3 =	simm.s32 $0x0  }
0x3: {  	s13 =	simm.s32 $0xD0;
	s14 =	simm.s32 $0x2900;
	s15 =	simm.s32 $0x2  }
0x4: {  	s16 =	simm.s32 $0xC0;
	s17 =	simm.s32 $0x9100;
	s18 =	simm.s32 $0x3  }
0x5: {  	s19 =	simm.s32 $0x4;
	s20 =	simm.s32 $0xF100;
	s21 =	simm.s32 $0x5  }
0x6: {  	s22 =	simm.s32 $0x0;
	s5 =	sand.u32 $0x1, s1;
	s1 =	rddreg [dreg:$0x2]  }
0x7: {  	s6 =	sshll.u32 s0, $0x1;
	[smem:$0x7FF] =	sst s3;
	s12 =	smul.u32 $0x28A00, s0  }
0x8: {  	s8 =	sadd.s32 $0x18600, s4;
	s6 =	sor.u32 s5, s6;
	s30 =	smul.u32 $0x14500, s5  }
0x9: {  	_ =	strace $0x80000047;
	s10 =	ssub.s32 $0x2, s5;
	s7 =	smul.u32 $0x500, s6  }
0xa: {  	s9 =	smul.u32 $0x1450, s6;
	s28 =	sshrl.u32 s10, $0x1;
	s12 =	sadd.s32 s12, s8  }
0xb: {  	s11 =	smul.u32 $0x14500, s6;
	s10 =	ssub.s32 s10, s28;
	s31 =	sadd.s32 s30, s12  }
0xc: {  	s12 =	simm.s32 $0x1;
	s7 =	sadd.s32 s7, s4;
	s9 =	sshrl.u32 s9, $0x3  }
0xd: {  	s29 =	sadd.s32 s4, s9;
	s6 =	sadd.s32 $0x2A2600, s7;
	s7 =	sadd.s32 s8, s11  }
0xe: {  	s8 =	smax.u32 s10, $0x1;
	s10 =	sadd.s32 $0x1900, s31;
	s11 =	simm.s32 $0x1480  }
0xf: {  	v0 =	vimm.f32 $0.0e+00;
	v1 =	vimm.f32 $1.000000000e+00;
	s4 =	sadd.s32 $0x9500, s29;
	s5 =	sadd.s32 $0x13300, s29;
	s9 =	sadd.s32 $0xD00, s7  }
.LBB2_1:
0x10: {  	[tilespmem:s3], [sflag:$0x1] =	stream.linear.gather [hbm4b:s4+s3], $0x1450, $0x38;
	[tilespmem:$0x11900] =	vst v63  }
0x11: {  	s23 =	simm.s32 $0x40;
	s24 =	simm.s32 $0x0  }
0x12: {  	[tilespmem:s11], [sflag:$0x1] =	stream.linear.gather [hbm4b:s5+s3], $0x1450, $0x38;
	[tilespmem:$0x11900] =	vst v63  }
.LBB2_2:
0x13: {  	p0 =	sne.s32 s23, $0x9FC0;
	[tilespmem:s24+$0xF100] =	vst v0;
	s24 =	smov.u32 s23;
	s23 =	sadd.s32 $0x40, s23  }
.Ltmp0:
0x14: {  	(pc) =	sbr.rel @p0 .LBB2_2-.Ltmp0, $2  }
0x15: {  	_ =	sdelay $0x2  }
0x16: {  	s24 =	sshra.s32 s24, $0x2  }
0x17: {  	[tilespmem:s24+$0xF100] =	vst v0  }
0x18: {  	_ =	swait.ge [sflag:s12], $0x1450  }
0x19: {  	[sflag:s12] =	ssyncset.done $0x0  }
0x1a: {  	[sflag:s12] =	ssyncadd.s32 $0xFFFFEBB0  }
0x1b: {  	_ =	swait.ge [sflag:s12], $0x1450  }
0x1c: {  	[sflag:s12] =	ssyncset.done $0x0  }
0x1d: {  	s23 =	simm.s32 $0x0;
	[sflag:s12] =	ssyncadd.s32 $0xFFFFEBB0  }
0x1e: {  	[tilespmem:s14], [sflag:$0x2] =	stream.indirect.gather [hbm4b:s2+s13], $0x80, s23, s13, $0xb8;
	[tilespmem:$0x11900] =	vst v63  }
0x1f: {  	_ =	swait.ge [sflag:s15], $0x6800  }
0x20: {  	[sflag:s15] =	ssyncset.done $0x0  }
0x21: {  	[sflag:s15] =	ssyncadd.s32 $0xFFFF9800  }
0x22: {  	[hbm4b:s7+s23] =	stream.linear.scatter [tilespmem:s14], [sflag:$0x3], $0x6800, $0x38;
	[tilespmem:$0x11900] =	vst v63  }
0x23: {  	_ = 	snop  }
0x24: {  	[tilespmem:s17], [sflag:$0x2] =	stream.indirect.gather [hbm4b:s2+s16], $0x80, s13, s16, $0xb8;
	[tilespmem:$0x11900] =	vst v63  }
0x25: {  	_ =	swait.ge [sflag:s15], $0x6000  }
0x26: {  	[sflag:s15] =	ssyncset.done $0x0  }
0x27: {  	[sflag:s15] =	ssyncadd.s32 $0xFFFFA000  }
0x28: {  	[hbm4b:s9+s23] =	stream.linear.scatter [tilespmem:s17], [sflag:$0x4], $0x6000, $0x38;
	[tilespmem:$0x11900] =	vst v63  }
0x29: {  	_ =	swait.ge [sflag:s18], $0x6800  }
0x2a: {  	[sflag:s18] =	ssyncset.done $0x0  }
0x2b: {  	s30 =	simm.s32 $0x190;
	[sflag:s18] =	ssyncadd.s32 $0xFFFF9800  }
0x2c: {  	[tilespmem:s14], [sflag:$0x2] =	stream.indirect.gather [hbm4b:s2+s13], $0x80, s30, s13, $0xb8;
	[tilespmem:$0x11900] =	vst v63  }
0x2d: {  	_ =	swait.ge [sflag:s15], $0x6800  }
0x2e: {  	[sflag:s15] =	ssyncset.done $0x0  }
0x2f: {  	[sflag:s15] =	ssyncadd.s32 $0xFFFF9800  }
0x30: {  	[hbm4b:s10+s3] =	stream.linear.scatter [tilespmem:s14], [sflag:$0x3], $0x6800, $0x38;
	[tilespmem:$0x11900] =	vst v63  }
0x31: {  	_ =	swait.ge [sflag:s19], $0x6000  }
0x32: {  	[sflag:s19] =	ssyncset.done $0x0  }
0x33: {  	s31 =	simm.s32 $0x260;
	[sflag:s19] =	ssyncadd.s32 $0xFFFFA000  }
0x34: {  	[tilespmem:s17], [sflag:$0x2] =	stream.indirect.gather [hbm4b:s2+s16], $0x80, s31, s16, $0xb8;
	[tilespmem:$0x11900] =	vst v63  }
0x35: {  	_ =	swait.ge [sflag:s15], $0x6000  }
0x36: {  	s25 =	sadd.s32 $0xD00, s10;
	[sflag:s15] =	ssyncset.done $0x0  }
0x37: {  	s24 =	sadd.s32 $0x1900, s10;
	s23 =	simm.s32 $0x640;
	[sflag:s15] =	ssyncadd.s32 $0xFFFFA000  }
.LBB2_4:
0x38: {  	[hbm4b:s25+s3] =	stream.linear.scatter [tilespmem:s17], [sflag:$0x4], $0x6000, $0x38;
	[tilespmem:$0x11900] =	vst v63  }
0x39: {  	s25 =	smov.u32 s23  }
0x3a: {  	p0 =	sne.s32 s23, $0x44C0;
	s23 =	sadd.s32 $0x640, s23;
	_ =	swait.ge [sflag:s18], $0x6800  }
0x3b: {  	s25 =	sshra.s32 s25, $0x2;
	[sflag:s18] =	ssyncset.done $0x0  }
0x3c: {  	s26 =	sadd.s32 $0x190, s25;
	[sflag:s18] =	ssyncadd.s32 $0xFFFF9800  }
0x3d: {  	[tilespmem:s14], [sflag:$0x2] =	stream.indirect.gather [hbm4b:s2+s13], $0x80, s26, s13, $0xb8;
	[tilespmem:$0x11900] =	vst v63  }
0x3e: {  	_ =	swait.ge [sflag:s15], $0x6800  }
0x3f: {  	[sflag:s15] =	ssyncset.done $0x0  }
0x40: {  	[sflag:s15] =	ssyncadd.s32 $0xFFFF9800  }
0x41: {  	[hbm4b:s24+s3] =	stream.linear.scatter [tilespmem:s14], [sflag:$0x3], $0x6800, $0x38;
	[tilespmem:$0x11900] =	vst v63  }
0x42: {  	_ =	swait.ge [sflag:s19], $0x6000  }
0x43: {  	[sflag:s19] =	ssyncset.done $0x0  }
.Ltmp1:
0x44: {  	s25 =	sadd.s32 $0x260, s25;
	[sflag:s19] =	ssyncadd.s32 $0xFFFFA000;
	(pc) =	sbr.rel @p0 .LBB2_4-.Ltmp1, $4  }
0x45: {  	[tilespmem:s17], [sflag:$0x2] =	stream.indirect.gather [hbm4b:s2+s16], $0x80, s25, s16, $0xb8;
	[tilespmem:$0x11900] =	vst v63  }
0x46: {  	_ =	swait.ge [sflag:s15], $0x6000  }
0x47: {  	[sflag:s15] =	ssyncset.done $0x0  }
0x48: {  	s25 =	sadd.s32 $0xD00, s24;
	s24 =	sadd.s32 $0x1900, s24;
	[sflag:s15] =	ssyncadd.s32 $0xFFFFA000  }
0x49: {  	[hbm4b:s25+s3] =	stream.linear.scatter [tilespmem:s17], [sflag:$0x4], $0x6000, $0x38;
	[tilespmem:$0x11900] =	vst v63  }
0x4a: {  	_ =	swait.ge [sflag:s18], $0x6800  }
0x4b: {  	[sflag:s18] =	ssyncset.done $0x0  }
0x4c: {  	[sflag:s18] =	ssyncadd.s32 $0xFFFF9800  }
0x4d: {  	_ =	swait.ge [sflag:s19], $0x6000  }
0x4e: {  	[sflag:s19] =	ssyncset.done $0x0  }
0x4f: {  	s24 =	simm.s32 $0x0;
	s23 =	simm.s32 $0x40;
	[sflag:s19] =	ssyncadd.s32 $0xFFFFA000  }
.LBB2_6:
0x50: {  	p0 =	sne.s32 s23, $0x5100;
	v2 =	vld [tilespmem:s24+$0x1480];
	_ =	sdelay $0x3  }
.Ltmp2:
0x51: {  	(pc) =	sbr.rel @p0 .LBB2_6-.Ltmp2, $2  }
0x52: {  	_ =	sdelay $0x2  }
0x53: {  	s24 =	sshra.s32 s23, $0x2;
	s23 =	sadd.s32 $0x40, s23;
	[tilespmem:v2+s20+$0x0] =	vst.idx.add.f32.msk $0xffff, v1  }
0x54: {  	v2 =	vld [tilespmem:s24+$0x1480];
	_ =	sdelay $0x5  }
0x55: {  	s22 =	sadd.s32 $0x1, s22  }
0x56: {  	p0 =	sne.s32 s22, s8  }
.Ltmp3:
0x57: {  	[tilespmem:v2+s20+$0x0] =	vst.idx.add.f32.msk $0xffff, v1;
	(pc) =	sbr.rel @p0 .LBB2_1-.Ltmp3, $4  }
0x58: {  	[hbm4b:s6+s3] =	stream.linear.scatter [tilespmem:s20], [sflag:$0x5], $0x2800, $0x38;
	[tilespmem:$0x11900] =	vst v63  }
0x59: {  	_ =	swait.ge [sflag:s21], $0x2800  }
0x5a: {  	[sflag:s21] =	ssyncset.done $0x0  }
0x5b: {  	[sflag:s21] =	ssyncadd.s32 $0xFFFFD800  }
0x5c: {  	_ =	sfence.sel $0x180000  }
0x5d: {  	[bflag:$0x0] =	sbarrier.arrive $0xFFFF  }
0x5e: {  	p0 =	sne.s32 s0, $0x0;
	_ =	strace $0x90000047  }
0x5f: {  	s0 =	sadd.s32 @!p0 $0x100000, s1;
	[bflag:$0x2] =	sbarrier.arrive $0xFFFF  }
0x60: {  	[sflag:s0] =	ssyncadd.tile.s32 @!p0 $0x1;
	_ =	shalt  }
.Lfunc_end2:
_tile_overlayer_lowered:
.L_overlay_start_2:
0x61: {  	(tag) =	ssettag $0x2  }
0x62: {  	s0 =	rddreg [dreg:$0x0];
	s2 =	stileid.u32  }
0x63: {  	s1 =	rddreg [dreg:$0x1];
	p0 =	sne.s32 s2, $0x0  }
0x64: {  	s3 =	rddreg [dreg:$0x2];
	[bflag:$0x3] =	sbarrier.arrive $0xFFFF;
	s2 =	simm.s32 @!p0 $0x1C05  }
0x65: {  	[timem:s3], [sflag:s2] =	dma.local @!p0 [hbm:s0], s1  }
0x66: {  	s0 =	simm.s32 @!p0 $0x5  }
0x67: {  	_ =	swait.ge @!p0 [sflag:s0], s1  }
0x68: {  	s1 =	ssub.s32 @!p0 $0x0, s1;
	[sflag:s0] =	ssyncset.done @!p0 $0x0  }
0x69: {  	[sflag:s0] =	ssyncadd.s32 @!p0 s1  }
0x6a: {  	[bflag:$0x3] =	sbarrier.arrive $0xFFFF  }
0x6b: {  	_ =	shalt  }

// kernel: kernel.14.cloned.1.call-start
scs
__scs_entry_jumppad:
0x0: {  	(pc) =	sbr.rel $0x88, $3  }
0x1: {  	(tag) =	ssettag $0x0;
	lr =	simm.s32 $0x1  }
0x2: {  	[smem:$0x3F8D] =	sst lr;
	_ =	strace $0xD0000000  }
0x3: {  	_ = 	snop  }
0x4: {  	_ = 	snop  }
0x5: {  	_ = 	snop  }
0x6: {  	_ = 	snop  }
0x7: {  	_ = 	snop  }
__scs_overlays_trampoline_lowered:
0x8: {  	[smem:$0x3F9C] =	sst s0  }
0x9: {  	[smem:$0x3F9D] =	sst s1  }
0xa: {  	[smem:$0x3F9E] =	sst s2  }
0xb: {  	[smem:$0x3F9F] =	sst s3  }
0xc: {  	[smem:$0x3FA0] =	sst s4  }
0xd: {  	[smem:$0x3FA1] =	sst s5  }
0xe: {  	[smem:$0x3FA2] =	sst s6  }
0xf: {  	[smem:$0x3FA3] =	sst s7  }
0x10: {  	[smem:$0x3FA4] =	sst s8  }
0x11: {  	[smem:$0x3FA5] =	sst s9;
	s0 =	simm.s32 @!p0 $0x0  }
0x12: {  	s1 =	sld [smem:$0x3F8B];
	s0 =	simm.s32 @p0 $0x1  }
0x13: {  	[smem:$0x3FA6] =	sst s0;
	s0 =	simm.s32 @!p1 $0x0  }
0x14: {  	s2 =	sld [smem:$0x3F8A];
	s0 =	simm.s32 @p1 $0x1  }
0x15: {  	[smem:$0x3FA7] =	sst s0;
	s0 =	simm.s32 @!p2 $0x0  }
0x16: {  	s3 =	sld [smem:$0x3FDB];
	s0 =	simm.s32 @p2 $0x1  }
0x17: {  	s4 =	simm.s32 $0x1BF5;
	[smem:$0x3FA9] =	sst s0  }
0x18: {  	s0 =	sld [smem:$0x3F8C];
	_ =	swait.ge [sflag:s4], $0x0  }
0x19: {  	s7 =	sld [smem:$0x3F8D]  }
0x1a: {  	s8 =	sadd.s32 $0xFFFFE003, lr  }
0x1b: {  	s9 =	sadd.s32 $0xFFFFFEF7, lr;
	s5 =	simm.s32 $0xFFFFFFFF;
	p2 =	slt.u32 s8, $0xFFFFF086  }
0x1c: {  	p1 =	slt.u32 s9, $0xF7A;
	s5 =	simm.s32 @!p2 $0x0  }
0x1d: {  	s5 =	simm.s32 @p1 $0x1;
	p0 =	seq.s32 s7, s2  }
0x1e: {  	s7 =	smul.u32 @!p0 $0xF7A, s2;
	p2 =	seq.s32 @!p0 s5, $0x0  }
0x1f: {  	s9 =	smul.u32 $0xF7A, s1;
	s8 =	simm.s32 @!p0 $0x1BF5;
	p2 =	por !p2, p0  }
0x20: {  	[sflag:s8] =	ssyncset.s32 @!p0 $0xFFFFF086;
	s6 =	sadd.s32 @!p0 s3, s7;
	s7 =	simm.s32 @!p0 $0x108  }
0x21: {  	s3 =	sadd.s32 s3, s9;
	s6 =	sadd.s32 @!p0 $0x88, s6;
	s7 =	simm.s32 @p2 $0x1082  }
0x22: {  	[simem:s7], [sflag:s8] =	dma.local @!p0 [hbm:s6], $0xF7A  }
0x23: {  	s9 =	sor.u32 $0xD0000000, s2;
	s6 =	simm.s32 $0x108;
	_ =	swait.ge @!p0 [sflag:s8], $0x0  }
0x24: {  	s3 =	sadd.s32 $0x88, s3;
	s6 =	simm.s32 @!p1 $0x1082;
	[sflag:s4] =	ssyncset.s32 $0xFFFFF086  }
0x25: {  	[simem:s6], [sflag:s4] =	dma.local [hbm:s3], $0xF7A  }
0x26: {  	[smem:$0x3F8D] =	sst s1;
	(tag) =	ssettag s2;
	_ =	strace s9  }
0x27: {  	s1 =	sld [smem:$0x3F9D]  }
0x28: {  	s2 =	sld [smem:$0x3F9E]  }
0x29: {  	s4 =	sld [smem:$0x3FA0]  }
0x2a: {  	p0 =	seq.s32 s5, $0x0;
	s5 =	sld [smem:$0x3FA1]  }
0x2b: {  	s6 =	sld [smem:$0x3FA2]  }
0x2c: {  	s7 =	sld [smem:$0x3FA3]  }
0x2d: {  	s3 =	simm.s32 $0x108;
	s8 =	sld [smem:$0x3FA4]  }
0x2e: {  	s3 =	simm.s32 @!p0 $0x1082;
	s9 =	sld [smem:$0x3FA5]  }
0x2f: {  	lr =	sadd.s32 s0, s3;
	s0 =	sld [smem:$0x3F9C]  }
0x30: {  	s3 =	sld [smem:$0x3F9F]  }
0x31: {  	[smem:$0x3FA8] =	sst s10  }
0x32: {  	s10 =	sld [smem:$0x3FA6];
	_ =	sdelay $0x3  }
0x33: {  	p0 =	seq.s32 s10, $0x1;
	s10 =	sld [smem:$0x3FA8];
	_ =	sdelay $0x3  }
0x34: {  	[smem:$0x3FA8] =	sst s10  }
0x35: {  	s10 =	sld [smem:$0x3FA7];
	_ =	sdelay $0x3  }
0x36: {  	p1 =	seq.s32 s10, $0x1;
	s10 =	sld [smem:$0x3FA8];
	_ =	sdelay $0x3  }
0x37: {  	[smem:$0x3FA8] =	sst s10  }
0x38: {  	s10 =	sld [smem:$0x3FA9]  }
0x39: {  	_ = 	snop;
	(pc) =	sbr.ind lr, $3  }
0x3a: {  	_ = 	snop  }
0x3b: {  	_ = 	snop  }
0x3c: {  	p2 =	seq.s32 s10, $0x1;
	s10 =	sld [smem:$0x3FA8]  }
0x3d: {  	_ =	shalt  }
0x3e: {  	_ =	shalt  }
0x3f: {  	_ =	shalt  }
0x40: {  	_ =	shalt  }
0x41: {  	_ =	shalt  }
0x42: {  	_ =	shalt  }
0x43: {  	_ =	shalt  }
0x44: {  	_ =	shalt  }
0x45: {  	_ =	shalt  }
0x46: {  	_ =	shalt  }
0x47: {  	_ =	shalt  }
0x48: {  	_ =	shalt  }
0x49: {  	_ =	shalt  }
0x4a: {  	_ =	shalt  }
0x4b: {  	_ =	shalt  }
0x4c: {  	_ =	shalt  }
0x4d: {  	_ =	shalt  }
0x4e: {  	_ =	shalt  }
0x4f: {  	_ =	shalt  }
0x50: {  	_ =	shalt  }
0x51: {  	_ =	shalt  }
0x52: {  	_ =	shalt  }
0x53: {  	_ =	shalt  }
0x54: {  	_ =	shalt  }
0x55: {  	_ =	shalt  }
0x56: {  	_ =	shalt  }
0x57: {  	_ =	shalt  }
0x58: {  	_ =	shalt  }
0x59: {  	_ =	shalt  }
0x5a: {  	_ =	shalt  }
0x5b: {  	_ =	shalt  }
0x5c: {  	_ =	shalt  }
0x5d: {  	_ =	shalt  }
0x5e: {  	_ =	shalt  }
0x5f: {  	_ =	shalt  }
0x60: {  	_ =	shalt  }
0x61: {  	_ =	shalt  }
0x62: {  	_ =	shalt  }
0x63: {  	_ =	shalt  }
0x64: {  	_ =	shalt  }
0x65: {  	_ =	shalt  }
0x66: {  	_ =	shalt  }
0x67: {  	_ =	shalt  }
0x68: {  	_ =	shalt  }
0x69: {  	_ =	shalt  }
0x6a: {  	_ =	shalt  }
0x6b: {  	_ =	shalt  }
0x6c: {  	_ =	shalt  }
0x6d: {  	_ =	shalt  }
0x6e: {  	_ =	shalt  }
0x6f: {  	_ =	shalt  }
0x70: {  	_ =	shalt  }
0x71: {  	_ =	shalt  }
0x72: {  	_ =	shalt  }
0x73: {  	_ =	shalt  }
0x74: {  	_ =	shalt  }
0x75: {  	_ =	shalt  }
0x76: {  	_ =	shalt  }
0x77: {  	_ =	shalt  }
0x78: {  	_ =	shalt  }
0x79: {  	_ =	shalt  }
0x7a: {  	_ =	shalt  }
0x7b: {  	_ =	shalt  }
0x7c: {  	_ =	shalt  }
0x7d: {  	_ =	shalt  }
0x7e: {  	_ =	shalt  }
0x7f: {  	_ =	shalt  }
0x80: {  	_ =	shalt  }
0x81: {  	_ =	shalt  }
0x82: {  	_ =	shalt  }
0x83: {  	_ =	shalt  }
0x84: {  	_ =	shalt  }
0x85: {  	_ =	shalt  }
0x86: {  	_ =	shalt  }
0x87: {  	_ =	shalt  }
.Lfunc_end0:
.L_simem_size_0:
called_computation.2_lowered:
.L_overlay_start_0:
0x88: {  	s2 =	sld [smem:$0x3FD9]  }
0x89: {  	s3 =	sld [smem:$0x3FFE];
	_ =	sdelay $0x1  }
0x8a: {  	s1 =	srdreg.scid  }
0x8b: {  	s0 =	sand.u32 $0x1, s1  }
0x8c: {  	s16 =	sshll.u32 s0, $0xA;
	s2 =	sadd.s32 s3, s2  }
0x8d: {  	s2 =	sadd.s32 s2, s16  }
0x8e: {  	[smem:$0x3FB4] =	sst s2  }
0x8f: {  	_ = 	snop  }
0x90: {  	(tm) =	ssettm $0x1  }
0x91: {  	s17 =	sld [smem:$0x3FFB];
	_ =	sdelay $0x3  }
0x92: {  	_ =	strace s17  }
0x93: {  	s2 =	sld [smem:$0x3FFC];
	_ =	sdelay $0x3  }
0x94: {  	_ =	strace s2  }
0x95: {  	s2 =	sld [smem:$0x3FFD];
	_ =	sdelay $0x3  }
0x96: {  	_ =	strace s2  }
0x97: {  	_ =	strace $0x8FFFFFFF  }
0x98: {  	s18 =	sld [smem:$0x3FDB];
	_ =	sdelay $0x1  }
0x99: {  	s19 =	simm.s32 $_scs_section_size  }
0x9a: {  	s4 =	simm.s32 $_size__tile_overlayer_lowered;
	s5 =	simm.s32 $_tile_overlayer_lowered  }
0x9b: {  	s22 =	simm.s32 $0x1BFF;
	s21 =	sshll.u32 s5, $0x1;
	s2 =	sadd.s32 s19, s18  }
0x9c: {  	s6 =	simm.s32 $0x0;
	s20 =	sshll.u32 s4, $0x1;
	s4 =	sadd.s32 s21, s2  }
0x9d: {  	[timem:s6], [sflag:s22] =	dma.local [hbm:s4], s20  }
0x9e: {  	_ =	swait.ge [sflag:s22], s20  }
0x9f: {  	s3 =	ssub.s32 $0x0, s20;
	[sflag:s22] =	ssyncset.done $0x0  }
0xa0: {  	[sflag:s22] =	ssyncadd.s32 s3;
	_ =	sdelay $0x1  }
0xa1: {  	s23 =	simm.s32 $0x1B8B  }
0xa2: {  	_ =	swait.ge [sflag:s23], $0x1  }
0xa3: {  	[sflag:s23] =	ssyncset.done $0x0  }
0xa4: {  	s25 =	simm.s32 $0x1B8E;
	s24 =	sld [smem:$0x3FFE];
	[sflag:s23] =	ssyncadd.s32 $0xFFFFFFFF  }
0xa5: {  	s26 =	simm.s32 $execute0_lowered;
	[smem:$0x3FD2] =	sst s25  }
0xa6: {  	s4 =	sshll.u32 s26, $0x1;
	_ =	strace $0x8000004C;
	[dreg:$0x1] =	wrdreg $0xFFFFFFFF  }
0xa7: {  	s28 =	simm.s32 $_size_execute0_lowered;
	s2 =	sadd.s32 s2, s4;
	[dreg:$0x0] =	wrdreg $0x0  }
0xa8: {  	s4 =	sshll.u32 s28, $0x1;
	[dreg:$0x2] =	wrdreg s2  }
0xa9: {  	[dreg:$0x3] =	wrdreg s4  }
0xaa: {  	[dreg:$0x4] =	wrdreg $0xC0  }
0xab: {  	_ =	task [dreg:s6], $0x5FFFF  }
0xac: {  	[dreg:$0x1] =	wrdreg $0xFFFFFFFF  }
0xad: {  	[dreg:$0x0] =	wrdreg $0x60  }
0xae: {  	[dreg:$0x2] =	wrdreg s24  }
0xaf: {  	[dreg:$0x3] =	wrdreg $0xCA000  }
0xb0: {  	[dreg:$0x4] =	wrdreg $0x9  }
0xb1: {  	_ =	task.clear_ibuf [dreg:s6], $0x5FFFF;
	_ =	strace $0x9000004C  }
0xb2: {  	s29 =	simm.s32 $0x9;
	_ =	strace $0x8000004E  }
0xb3: {  	_ =	swait.ge [sflag:s29], $0x1  }
0xb4: {  	[sflag:s29] =	ssyncadd.s32 $0xFFFFFFFF  }
0xb5: {  	_ =	strace $0x9000004E  }
0xb6: {  	_ =	sfence  }
0xb7: {  	s30 =	sld [smem:$0x0];
	_ =	sdelay $0x2  }
0xb8: {  	s31 =	sshll.u32 s1, $0xD;
	s1 =	sshrl.u32 s1, $0x2  }
0xb9: {  	s3 =	sand.u32 $0x4000, s31;
	s1 =	sadd.s32 s1, s30  }
0xba: {  	s0 =	sor.u32 s3, s0;
	s1 =	sshll.u32 s1, $0x11  }
0xbb: {  	s0 =	sor.u32 s1, s0  }
0xbc: {  	s0 =	sadd.s32 $0x8F2B, s0  }
0xbd: {  	[sflag:s0] =	ssyncadd.remote.s32 $0x1  }
0xbe: {  	_ =	sfence.sel $0xFFFF  }
0xbf: {  	[dreg:$0x0] =	wrdreg $0xFFFFFFFF;
	(pc) =	sbr.abs _section_cstart, $3  }
0xc0: {  	[dreg:$0x1] =	wrdreg $0xFFFFFFFF  }
0xc1: {  	_ =	task.clear_ibuf [dreg:s6], $0x2FFFF;
	_ =	strace $0x9FFFFFFF  }
0xc2: {  	(tm) =	ssettm $0x7FFFFFFF  }
0xc3: {  	_ =	shalt  }
tec
execute0_lowered:
.L_overlay_start_1:
0x0: {  	(tag) =	ssettag $0x1  }
0x1: {  	s12 =	stileid.u32  }
0x2: {  	s4 =	rddreg [dreg:$0x0];
	s3 =	smul.u32 $0x25800, s12  }
0x3: {  	s1 =	rddreg [dreg:$0x1];
	s6 =	smul.u32 $0x28A00, s12  }
0x4: {  	s0 =	rddreg [dreg:$0x2];
	s2 =	simm.s32 $0x0;
	s20 =	smul.u32 $0x28000, s12  }
0x5: {  	s5 =	srdreg.scid;
	s18 =	simm.s32 $0x100;
	s13 =	smul.u32 $0x2580, s12  }
0x6: {  	s19 =	simm.s32 $0x8200;
	[smem:$0x7FF] =	sst s2;
	s26 =	smul.u32 $0x28A0, s12  }
0x7: {  	s5 =	sand.u32 $0x1, s5;
	s10 =	sadd.s32 $0xE800, s4;
	s29 =	smul.u32 $0x4B0, s12  }
0x8: {  	s23 =	sshll.u32 s12, $0x6;
	s16 =	sadd.s32 $0xA0000, s1;
	s17 =	smul.u32 $0x514, s12  }
0x9: {  	p0 =	sne.s32 s12, $0x0;
	_ =	strace $0x8000004D;
	s8 =	smul.u32 $0x14000, s5  }
0xa: {  	s21 =	ssub.s32 $0x2, s5;
	s24 =	smul.u32 $0x1400, s5;
	s7 =	sadd.s32 s3, s4  }
0xb: {  	s9 =	sadd.s32 s6, s4;
	s3 =	sadd.s32 $0x4A00, s4;
	s22 =	sshrl.u32 s21, $0x1  }
0xc: {  	s6 =	sshrl.u32 s20, $0x2;
	s25 =	sshrl.u32 s13, $0x3;
	s28 =	sshrl.u32 s26, $0x3  }
0xd: {  	s26 =	smul.u32 $0x1400, s12;
	s30 =	sadd.s32 s29, s10;
	s31 =	sadd.s32 s17, s10  }
0xe: {  	s13 =	simm.s32 $0x7;
	s17 =	simm.s32 $0x3;
	s20 =	simm.s32 $0x2  }
0xf: {  	s11 =	sadd.s32 s8, s4;
	s14 =	ssub.s32 s21, s22;
	s15 =	sadd.s32 s6, s1  }
0x10: {  	s4 =	sor.u32 $0x1C07, s23;
	s5 =	sadd.s32 s10, s25;
	s6 =	sadd.s32 $0x18600, s7  }
0x11: {  	s8 =	sadd.s32 s10, s28;
	s7 =	sadd.s32 $0x775600, s9;
	s10 =	sadd.s32 $0x32, s30  }
.Ltmp0:
0x12: {  	s21 =	simm.s32 $0x4;
	s22 =	simm.s32 $0x90;
	(pc) =	sbr.rel .LBB2_1-.Ltmp0, $4  }
0x13: {  	s23 =	simm.s32 $0x5;
	s8 =	sadd.s32 $0x4B00, s8;
	s25 =	sadd.s32 $0x270600, s11  }
0x14: {  	s9 =	smax.u32 s14, $0x1;
	s11 =	sadd.s32 $0x4B32, s31;
	s12 =	sshrl.u32 s15, $0x3  }
0x15: {  	s14 =	sshrl.u32 @!p0 s16, $0x3;
	s15 =	simm.s32 $0x200;
	s16 =	simm.s32 $0x1  }
0x16: {  	v0 =	vmov s24;
	s24 =	sadd.s32 s26, s25;
	s25 =	simm.s32 $0x6;
	s26 =	simm.s32 $0x0  }
.LBB2_7:
0x17: {  	_ =	swait.ge [sflag:s25], $0x4800  }
0x18: {  	s26 =	sadd.s32 $0x1, s26;
	[sflag:s25] =	ssyncset.done $0x0  }
0x19: {  	p1 =	sne.s32 s26, s9;
	[sflag:s25] =	ssyncadd.s32 $0xFFFFB800  }
.Ltmp1:
0x1a: {  	[bflag:$0x0] =	sbarrier.arrive $0xFFFF;
	(pc) =	sbr.rel @!p1 .LBB2_8-.Ltmp1, $4  }
0x1b: {  	[hbm:s24], [sflag:s4] =	dma.local [spmem:s12], $0x1400  }
0x1c: {  	_ =	swait.ge [sflag:s13], $0x1400  }
0x1d: {  	[sflag:s13] =	ssyncset.done $0x0  }
0x1e: {  	[sflag:s13] =	ssyncadd.s32 $0xFFFFEC00  }
.LBB2_1:
0x1f: {  	[spmem:s12], [sflag:s4] =	dma.local [hbm:s3], $0x1400  }
0x20: {  	_ =	swait.ge [sflag:s13], $0x1400  }
0x21: {  	[sflag:s13] =	ssyncset.done $0x0  }
0x22: {  	s28 =	simm.s32 @!p0 $0x7;
	[sflag:s13] =	ssyncadd.s32 $0xFFFFEC00  }
0x23: {  	[spmem:s14], [sflag:s4] =	dma.local @!p0 [hbm:s3], $0x80  }
0x24: {  	_ =	swait.ge @!p0 [sflag:s28], $0x80  }
0x25: {  	[sflag:s28] =	ssyncset.done @!p0 $0x0  }
0x26: {  	[sflag:s28] =	ssyncadd.s32 @!p0 $0xFFFFFF80  }
0x27: {  	[bflag:$0x0] =	sbarrier.arrive $0xFFFF  }
0x28: {  	[tilespmem:s2], [sflag:$0x1] =	stream.linear.gather [hbm4b:s5+s2], $0x100, $0x38;
	[tilespmem:$0x16A40] =	vst v63  }
0x29: {  	s29 =	simm.s32 $0x0;
	s28 =	smov.u32 s10  }
0x2a: {  	[tilespmem:s15], [sflag:$0x3] =	stream.linear.gather [hbm4b:s6+s2], $0x8000, $0x38;
	[tilespmem:$0x16A40] =	vst v63  }
.LBB2_2:
0x2b: {  	_ =	swait.ge [sflag:s16], $0x100  }
0x2c: {  	[sflag:s16] =	ssyncset.done $0x0  }
0x2d: {  	[sflag:s16] =	ssyncadd.s32 $0xFFFFFF00  }
0x2e: {  	_ =	swait.ge [sflag:s17], $0x8000  }
0x2f: {  	[sflag:s17] =	ssyncset.done $0x0  }
0x30: {  	[sflag:s17] =	ssyncadd.s32 $0xFFFF8000  }
0x31: {  	v1 =	vld [tilespmem:$0x0]  }
0x32: {  	v2 =	vld [tilespmem:$0x10]  }
0x33: {  	v3 =	vld [tilespmem:$0x20]  }
0x34: {  	v4 =	vld [tilespmem:$0x30]  }
0x35: {  	v5 =	vld [tilespmem:$0x40]  }
0x36: {  	v6 =	vld [tilespmem:$0x50];
	v1 =	vsub.s32 v1, v0  }
0x37: {  	v7 =	vld [tilespmem:$0x60];
	v2 =	vsub.s32 v2, v0;
	v1 =	vmin.u32 v1, $0x1400  }
0x38: {  	[tilespmem:$0x0] =	vst v1;
	v1 =	vmin.u32 v2, $0x1400;
	v2 =	vsub.s32 v3, v0;
	v3 =	vld [tilespmem:$0x70]  }
0x39: {  	v52 =	vld [tilespmem:$0x80];
	[tilespmem:$0x10] =	vst v1;
	v1 =	vmin.u32 v2, $0x1400;
	v2 =	vsub.s32 v4, v0  }
0x3a: {  	v53 =	vld [tilespmem:$0x90];
	[tilespmem:$0x20] =	vst v1;
	v1 =	vmin.u32 v2, $0x1400;
	v2 =	vsub.s32 v5, v0  }
0x3b: {  	v54 =	vld [tilespmem:$0xA0];
	[tilespmem:$0x30] =	vst v1;
	v1 =	vmin.u32 v2, $0x1400;
	v2 =	vsub.s32 v6, v0  }
0x3c: {  	v55 =	vld [tilespmem:$0xB0];
	[tilespmem:$0x40] =	vst v1;
	v1 =	vmin.u32 v2, $0x1400;
	v2 =	vsub.s32 v7, v0  }
0x3d: {  	[tilespmem:$0x50] =	vst v1;
	v1 =	vmin.u32 v2, $0x1400;
	v2 =	vsub.s32 v3, v0;
	v3 =	vld [tilespmem:$0xC0]  }
0x3e: {  	v56 =	vld [tilespmem:$0xD0];
	[tilespmem:$0x60] =	vst v1;
	v1 =	vmin.u32 v2, $0x1400;
	v2 =	vsub.s32 v52, v0  }
0x3f: {  	v57 =	vld [tilespmem:$0xE0];
	[tilespmem:$0x70] =	vst v1;
	v1 =	vmin.u32 v2, $0x1400;
	v2 =	vsub.s32 v53, v0  }
0x40: {  	v58 =	vld [tilespmem:$0xF0];
	[tilespmem:$0x80] =	vst v1;
	v1 =	vmin.u32 v2, $0x1400;
	v2 =	vsub.s32 v54, v0  }
0x41: {  	[tilespmem:$0x90] =	vst v1;
	v1 =	vmin.u32 v2, $0x1400;
	v2 =	vsub.s32 v55, v0  }
0x42: {  	[tilespmem:$0xA0] =	vst v1;
	v1 =	vmin.u32 v2, $0x1400;
	v2 =	vsub.s32 v3, v0  }
0x43: {  	[tilespmem:$0xB0] =	vst v1;
	v1 =	vmin.u32 v2, $0x1400;
	v2 =	vsub.s32 v56, v0  }
0x44: {  	[tilespmem:$0xC0] =	vst v1;
	v1 =	vmin.u32 v2, $0x1400;
	v2 =	vsub.s32 v57, v0  }
0x45: {  	[tilespmem:$0xD0] =	vst v1;
	v1 =	vmin.u32 v2, $0x1400;
	v2 =	vsub.s32 v58, v0  }
0x46: {  	p1 =	seq.s32 s29, $0x0;
	[tilespmem:$0xE0] =	vst v1;
	v1 =	vmin.u32 v2, $0x1400  }
0x47: {  	s30 =	simm.s32 @!p1 $0x6;
	[tilespmem:$0xF0] =	vst v1  }
0x48: {  	[spmem:s1] =	stream.indirect.scatter.add.f32 [tilespmem:s15], [sflag:$0x5], $0x80, s2, s18, $0xb8;
	[tilespmem:$0x16A40] =	vst v63  }
0x49: {  	_ =	swait.ge @!p1 [sflag:s30], $0x4800  }
0x4a: {  	[sflag:s30] =	ssyncset.done @!p1 $0x0  }
0x4b: {  	[sflag:s30] =	ssyncadd.s32 @!p1 $0xFFFFB800;
	s30 =	sadd.s32 $0xFFFFFFEE, s28  }
0x4c: {  	[tilespmem:s18], [sflag:$0x2] =	stream.linear.gather [hbm4b:s30+s2], $0x90, $0x38;
	[tilespmem:$0x16A40] =	vst v63  }
0x4d: {  	s30 =	sadd.s32 s29, s6  }
0x4e: {  	s31 =	sadd.s32 $0x1000, s30  }
0x4f: {  	[tilespmem:s19], [sflag:$0x4] =	stream.linear.gather [hbm4b:s31+s2], $0x4800, $0x38;
	[tilespmem:$0x16A40] =	vst v63  }
0x50: {  	_ =	swait.ge [sflag:s20], $0x90  }
0x51: {  	[sflag:s20] =	ssyncset.done $0x0  }
0x52: {  	[sflag:s20] =	ssyncadd.s32 $0xFFFFFF70  }
0x53: {  	_ =	swait.ge [sflag:s21], $0x4800  }
0x54: {  	[sflag:s21] =	ssyncset.done $0x0  }
0x55: {  	[sflag:s21] =	ssyncadd.s32 $0xFFFFB800  }
0x56: {  	v1 =	vld [tilespmem:$0x100]  }
0x57: {  	v2 =	vld [tilespmem:$0x110]  }
0x58: {  	v3 =	vld [tilespmem:$0x120]  }
0x59: {  	v59 =	vld [tilespmem:$0x130]  }
0x5a: {  	v60 =	vld [tilespmem:$0x140]  }
0x5b: {  	v61 =	vld [tilespmem:$0x150];
	v1 =	vsub.s32 v1, v0  }
0x5c: {  	v62 =	vld [tilespmem:$0x160];
	v2 =	vsub.s32 v2, v0;
	v1 =	vmin.u32 v1, $0x1400  }
0x5d: {  	[tilespmem:$0x100] =	vst v1;
	v1 =	vmin.u32 v2, $0x1400;
	v2 =	vsub.s32 v3, v0;
	v3 =	vld [tilespmem:$0x170]  }
0x5e: {  	v63 =	vld [tilespmem:$0x180];
	[tilespmem:$0x110] =	vst v1;
	v1 =	vmin.u32 v2, $0x1400;
	v2 =	vsub.s32 v59, v0  }
0x5f: {  	[tilespmem:$0x120] =	vst v1;
	v1 =	vmin.u32 v2, $0x1400;
	v2 =	vsub.s32 v60, v0  }
0x60: {  	[tilespmem:$0x130] =	vst v1;
	v1 =	vmin.u32 v2, $0x1400;
	v2 =	vsub.s32 v61, v0  }
0x61: {  	[tilespmem:$0x140] =	vst v1;
	v1 =	vmin.u32 v2, $0x1400;
	v2 =	vsub.s32 v62, v0  }
0x62: {  	[tilespmem:$0x150] =	vst v1;
	v1 =	vmin.u32 v2, $0x1400;
	v2 =	vsub.s32 v3, v0  }
0x63: {  	[tilespmem:$0x160] =	vst v1;
	v1 =	vmin.u32 v2, $0x1400;
	v2 =	vsub.s32 v63, v0  }
0x64: {  	p1 =	seq.s32 s29, $0x23F00;
	[tilespmem:$0x170] =	vst v1;
	v1 =	vmin.u32 v2, $0x1400  }
.Ltmp2:
0x65: {  	[tilespmem:$0x180] =	vst v1;
	(pc) =	sbr.rel @p1 .LBB2_4-.Ltmp2, $4  }
0x66: {  	[spmem:s1] =	stream.indirect.scatter.add.f32 [tilespmem:s19], [sflag:$0x6], $0x80, s18, s22, $0xb8;
	[tilespmem:$0x16A40] =	vst v63  }
0x67: {  	_ =	swait.ge [sflag:s23], $0x8000  }
0x68: {  	[sflag:s23] =	ssyncset.done $0x0  }
0x69: {  	[sflag:s23] =	ssyncadd.s32 $0xFFFF8000  }
.Ltmp3:
0x6a: {  	(pc) =	sbr.rel .LBB2_2-.Ltmp3, $4  }
0x6b: {  	_ = 	snop  }
0x6c: {  	[tilespmem:s2], [sflag:$0x1] =	stream.linear.gather [hbm4b:s28+s2], $0x100, $0x38;
	[tilespmem:$0x16A40] =	vst v63  }
0x6d: {  	s30 =	sadd.s32 $0x1900, s30;
	s29 =	sadd.s32 $0x1900, s29;
	s28 =	sadd.s32 $0x32, s28  }
0x6e: {  	[tilespmem:s15], [sflag:$0x3] =	stream.linear.gather [hbm4b:s30+s2], $0x8000, $0x38;
	[tilespmem:$0x16A40] =	vst v63  }
.LBB2_4:
0x6f: {  	_ =	swait.ge [sflag:s25], $0x4800  }
0x70: {  	[sflag:s25] =	ssyncset.done $0x0  }
0x71: {  	s28 =	simm.s32 $0x0;
	[sflag:s25] =	ssyncadd.s32 $0xFFFFB800  }
0x72: {  	[tilespmem:s28], [sflag:$0x1] =	stream.linear.gather [hbm4b:s8+s28], $0x100, $0x38;
	[tilespmem:$0x16A40] =	vst v63  }
0x73: {  	s29 =	smov.u32 s11  }
0x74: {  	[tilespmem:s15], [sflag:$0x3] =	stream.linear.gather [hbm4b:s7+s28], $0x8000, $0x38;
	[tilespmem:$0x16A40] =	vst v63  }
.LBB2_5:
0x75: {  	_ =	swait.ge [sflag:s16], $0x100  }
0x76: {  	[sflag:s16] =	ssyncset.done $0x0  }
0x77: {  	[sflag:s16] =	ssyncadd.s32 $0xFFFFFF00  }
0x78: {  	_ =	swait.ge [sflag:s17], $0x8000  }
0x79: {  	[sflag:s17] =	ssyncset.done $0x0  }
0x7a: {  	[sflag:s17] =	ssyncadd.s32 $0xFFFF8000  }
0x7b: {  	v1 =	vld [tilespmem:$0x0]  }
0x7c: {  	v2 =	vld [tilespmem:$0x10]  }
0x7d: {  	v3 =	vld [tilespmem:$0x20]  }
0x7e: {  	v4 =	vld [tilespmem:$0x30]  }
0x7f: {  	v5 =	vld [tilespmem:$0x40]  }
0x80: {  	v6 =	vld [tilespmem:$0x50];
	v1 =	vsub.s32 v1, v0  }
0x81: {  	v7 =	vld [tilespmem:$0x60];
	v2 =	vsub.s32 v2, v0;
	v1 =	vmin.u32 v1, $0x1400  }
0x82: {  	[tilespmem:$0x0] =	vst v1;
	v1 =	vmin.u32 v2, $0x1400;
	v2 =	vsub.s32 v3, v0;
	v3 =	vld [tilespmem:$0x70]  }
0x83: {  	v52 =	vld [tilespmem:$0x80];
	[tilespmem:$0x10] =	vst v1;
	v1 =	vmin.u32 v2, $0x1400;
	v2 =	vsub.s32 v4, v0  }
0x84: {  	v53 =	vld [tilespmem:$0x90];
	[tilespmem:$0x20] =	vst v1;
	v1 =	vmin.u32 v2, $0x1400;
	v2 =	vsub.s32 v5, v0  }
0x85: {  	v54 =	vld [tilespmem:$0xA0];
	[tilespmem:$0x30] =	vst v1;
	v1 =	vmin.u32 v2, $0x1400;
	v2 =	vsub.s32 v6, v0  }
0x86: {  	v55 =	vld [tilespmem:$0xB0];
	[tilespmem:$0x40] =	vst v1;
	v1 =	vmin.u32 v2, $0x1400;
	v2 =	vsub.s32 v7, v0  }
0x87: {  	[tilespmem:$0x50] =	vst v1;
	v1 =	vmin.u32 v2, $0x1400;
	v2 =	vsub.s32 v3, v0;
	v3 =	vld [tilespmem:$0xC0]  }
0x88: {  	v56 =	vld [tilespmem:$0xD0];
	[tilespmem:$0x60] =	vst v1;
	v1 =	vmin.u32 v2, $0x1400;
	v2 =	vsub.s32 v52, v0  }
0x89: {  	v57 =	vld [tilespmem:$0xE0];
	[tilespmem:$0x70] =	vst v1;
	v1 =	vmin.u32 v2, $0x1400;
	v2 =	vsub.s32 v53, v0  }
0x8a: {  	v58 =	vld [tilespmem:$0xF0];
	[tilespmem:$0x80] =	vst v1;
	v1 =	vmin.u32 v2, $0x1400;
	v2 =	vsub.s32 v54, v0  }
0x8b: {  	[tilespmem:$0x90] =	vst v1;
	v1 =	vmin.u32 v2, $0x1400;
	v2 =	vsub.s32 v55, v0  }
0x8c: {  	[tilespmem:$0xA0] =	vst v1;
	v1 =	vmin.u32 v2, $0x1400;
	v2 =	vsub.s32 v3, v0  }
0x8d: {  	[tilespmem:$0xB0] =	vst v1;
	v1 =	vmin.u32 v2, $0x1400;
	v2 =	vsub.s32 v56, v0  }
0x8e: {  	[tilespmem:$0xC0] =	vst v1;
	v1 =	vmin.u32 v2, $0x1400;
	v2 =	vsub.s32 v57, v0  }
0x8f: {  	[tilespmem:$0xD0] =	vst v1;
	v1 =	vmin.u32 v2, $0x1400;
	v2 =	vsub.s32 v58, v0  }
0x90: {  	p1 =	seq.s32 s28, $0x0;
	[tilespmem:$0xE0] =	vst v1;
	v1 =	vmin.u32 v2, $0x1400  }
0x91: {  	s30 =	simm.s32 @!p1 $0x6;
	[tilespmem:$0xF0] =	vst v1  }
0x92: {  	[spmem:s1] =	stream.indirect.scatter.add.f32 [tilespmem:s15], [sflag:$0x5], $0x80, s2, s18, $0xb8;
	[tilespmem:$0x16A40] =	vst v63  }
0x93: {  	_ =	swait.ge @!p1 [sflag:s30], $0x4800  }
0x94: {  	[sflag:s30] =	ssyncset.done @!p1 $0x0  }
0x95: {  	[sflag:s30] =	ssyncadd.s32 @!p1 $0xFFFFB800;
	s30 =	sadd.s32 $0xFFFFFFEE, s29  }
0x96: {  	[tilespmem:s18], [sflag:$0x2] =	stream.linear.gather [hbm4b:s30+s2], $0x90, $0x38;
	[tilespmem:$0x16A40] =	vst v63  }
0x97: {  	s30 =	sadd.s32 s28, s7  }
0x98: {  	s31 =	sadd.s32 $0x1000, s30  }
0x99: {  	[tilespmem:s19], [sflag:$0x4] =	stream.linear.gather [hbm4b:s31+s2], $0x4800, $0x38;
	[tilespmem:$0x16A40] =	vst v63  }
0x9a: {  	_ =	swait.ge [sflag:s20], $0x90  }
0x9b: {  	[sflag:s20] =	ssyncset.done $0x0  }
0x9c: {  	[sflag:s20] =	ssyncadd.s32 $0xFFFFFF70  }
0x9d: {  	_ =	swait.ge [sflag:s21], $0x4800  }
0x9e: {  	[sflag:s21] =	ssyncset.done $0x0  }
0x9f: {  	[sflag:s21] =	ssyncadd.s32 $0xFFFFB800  }
0xa0: {  	v1 =	vld [tilespmem:$0x100]  }
0xa1: {  	v2 =	vld [tilespmem:$0x110]  }
0xa2: {  	v3 =	vld [tilespmem:$0x120]  }
0xa3: {  	v59 =	vld [tilespmem:$0x130]  }
0xa4: {  	v60 =	vld [tilespmem:$0x140]  }
0xa5: {  	v61 =	vld [tilespmem:$0x150];
	v1 =	vsub.s32 v1, v0  }
0xa6: {  	v62 =	vld [tilespmem:$0x160];
	v2 =	vsub.s32 v2, v0;
	v1 =	vmin.u32 v1, $0x1400  }
0xa7: {  	[tilespmem:$0x100] =	vst v1;
	v1 =	vmin.u32 v2, $0x1400;
	v2 =	vsub.s32 v3, v0;
	v3 =	vld [tilespmem:$0x170]  }
0xa8: {  	v63 =	vld [tilespmem:$0x180];
	[tilespmem:$0x110] =	vst v1;
	v1 =	vmin.u32 v2, $0x1400;
	v2 =	vsub.s32 v59, v0  }
0xa9: {  	[tilespmem:$0x120] =	vst v1;
	v1 =	vmin.u32 v2, $0x1400;
	v2 =	vsub.s32 v60, v0  }
0xaa: {  	[tilespmem:$0x130] =	vst v1;
	v1 =	vmin.u32 v2, $0x1400;
	v2 =	vsub.s32 v61, v0  }
0xab: {  	[tilespmem:$0x140] =	vst v1;
	v1 =	vmin.u32 v2, $0x1400;
	v2 =	vsub.s32 v62, v0  }
0xac: {  	[tilespmem:$0x150] =	vst v1;
	v1 =	vmin.u32 v2, $0x1400;
	v2 =	vsub.s32 v3, v0  }
0xad: {  	[tilespmem:$0x160] =	vst v1;
	v1 =	vmin.u32 v2, $0x1400;
	v2 =	vsub.s32 v63, v0  }
0xae: {  	p1 =	seq.s32 s28, $0x27100;
	[tilespmem:$0x170] =	vst v1;
	v1 =	vmin.u32 v2, $0x1400  }
.Ltmp4:
0xaf: {  	[tilespmem:$0x180] =	vst v1;
	(pc) =	sbr.rel @p1 .LBB2_7-.Ltmp4, $4  }
0xb0: {  	[spmem:s1] =	stream.indirect.scatter.add.f32 [tilespmem:s19], [sflag:$0x6], $0x80, s18, s22, $0xb8;
	[tilespmem:$0x16A40] =	vst v63  }
0xb1: {  	_ =	swait.ge [sflag:s23], $0x8000  }
0xb2: {  	[sflag:s23] =	ssyncset.done $0x0  }
0xb3: {  	[sflag:s23] =	ssyncadd.s32 $0xFFFF8000  }
.Ltmp5:
0xb4: {  	(pc) =	sbr.rel .LBB2_5-.Ltmp5, $4  }
0xb5: {  	_ = 	snop  }
0xb6: {  	[tilespmem:s2], [sflag:$0x1] =	stream.linear.gather [hbm4b:s29+s2], $0x100, $0x38;
	[tilespmem:$0x16A40] =	vst v63  }
0xb7: {  	s30 =	sadd.s32 $0x1900, s30;
	s28 =	sadd.s32 $0x1900, s28;
	s29 =	sadd.s32 $0x32, s29  }
0xb8: {  	[tilespmem:s15], [sflag:$0x3] =	stream.linear.gather [hbm4b:s30+s2], $0x8000, $0x38;
	[tilespmem:$0x16A40] =	vst v63  }
.LBB2_8:
0xb9: {  	_ =	sfence.sel $0x180000  }
0xba: {  	[bflag:$0x0] =	sbarrier.arrive $0xFFFF  }
0xbb: {  	_ =	strace $0x9000004D  }
0xbc: {  	s0 =	sadd.s32 @!p0 $0x100000, s0;
	[bflag:$0x2] =	sbarrier.arrive $0xFFFF  }
0xbd: {  	[sflag:s0] =	ssyncadd.tile.s32 @!p0 $0x1;
	_ =	shalt  }
.Lfunc_end2:
_tile_overlayer_lowered:
.L_overlay_start_2:
0xbe: {  	(tag) =	ssettag $0x2  }
0xbf: {  	s0 =	rddreg [dreg:$0x0];
	s2 =	stileid.u32  }
0xc0: {  	s1 =	rddreg [dreg:$0x1];
	p0 =	sne.s32 s2, $0x0  }
0xc1: {  	s3 =	rddreg [dreg:$0x2];
	[bflag:$0x3] =	sbarrier.arrive $0xFFFF;
	s2 =	simm.s32 @!p0 $0x1C07  }
0xc2: {  	[timem:s3], [sflag:s2] =	dma.local @!p0 [hbm:s0], s1  }
0xc3: {  	s0 =	simm.s32 @!p0 $0x7  }
0xc4: {  	_ =	swait.ge @!p0 [sflag:s0], s1  }
0xc5: {  	s1 =	ssub.s32 @!p0 $0x0, s1;
	[sflag:s0] =	ssyncset.done @!p0 $0x0  }
0xc6: {  	[sflag:s0] =	ssyncadd.s32 @!p0 s1  }
0xc7: {  	[bflag:$0x3] =	sbarrier.arrive $0xFFFF  }
0xc8: {  	_ =	shalt  }

// kernel: kernel.8.cloned.1.call-start
scs
__scs_entry_jumppad:
0x0: {  	(pc) =	sbr.rel $0x88, $3  }
0x1: {  	(tag) =	ssettag $0x0;
	lr =	simm.s32 $0x1  }
0x2: {  	[smem:$0x3F8D] =	sst lr;
	_ =	strace $0xD0000000  }
0x3: {  	_ = 	snop  }
0x4: {  	_ = 	snop  }
0x5: {  	_ = 	snop  }
0x6: {  	_ = 	snop  }
0x7: {  	_ = 	snop  }
__scs_overlays_trampoline_lowered:
0x8: {  	[smem:$0x3F9C] =	sst s0  }
0x9: {  	[smem:$0x3F9D] =	sst s1  }
0xa: {  	[smem:$0x3F9E] =	sst s2  }
0xb: {  	[smem:$0x3F9F] =	sst s3  }
0xc: {  	[smem:$0x3FA0] =	sst s4  }
0xd: {  	[smem:$0x3FA1] =	sst s5  }
0xe: {  	[smem:$0x3FA2] =	sst s6  }
0xf: {  	[smem:$0x3FA3] =	sst s7  }
0x10: {  	[smem:$0x3FA4] =	sst s8  }
0x11: {  	[smem:$0x3FA5] =	sst s9;
	s0 =	simm.s32 @!p0 $0x0  }
0x12: {  	s1 =	sld [smem:$0x3F8B];
	s0 =	simm.s32 @p0 $0x1  }
0x13: {  	[smem:$0x3FA6] =	sst s0;
	s0 =	simm.s32 @!p1 $0x0  }
0x14: {  	s2 =	sld [smem:$0x3F8A];
	s0 =	simm.s32 @p1 $0x1  }
0x15: {  	[smem:$0x3FA7] =	sst s0;
	s0 =	simm.s32 @!p2 $0x0  }
0x16: {  	s3 =	sld [smem:$0x3FDB];
	s0 =	simm.s32 @p2 $0x1  }
0x17: {  	s4 =	simm.s32 $0x1BF5;
	[smem:$0x3FA9] =	sst s0  }
0x18: {  	s0 =	sld [smem:$0x3F8C];
	_ =	swait.ge [sflag:s4], $0x0  }
0x19: {  	s7 =	sld [smem:$0x3F8D]  }
0x1a: {  	s8 =	sadd.s32 $0xFFFFE003, lr  }
0x1b: {  	s9 =	sadd.s32 $0xFFFFFEF7, lr;
	s5 =	simm.s32 $0xFFFFFFFF;
	p2 =	slt.u32 s8, $0xFFFFF086  }
0x1c: {  	p1 =	slt.u32 s9, $0xF7A;
	s5 =	simm.s32 @!p2 $0x0  }
0x1d: {  	s5 =	simm.s32 @p1 $0x1;
	p0 =	seq.s32 s7, s2  }
0x1e: {  	s7 =	smul.u32 @!p0 $0xF7A, s2;
	p2 =	seq.s32 @!p0 s5, $0x0  }
0x1f: {  	s9 =	smul.u32 $0xF7A, s1;
	s8 =	simm.s32 @!p0 $0x1BF5;
	p2 =	por !p2, p0  }
0x20: {  	[sflag:s8] =	ssyncset.s32 @!p0 $0xFFFFF086;
	s6 =	sadd.s32 @!p0 s3, s7;
	s7 =	simm.s32 @!p0 $0x108  }
0x21: {  	s3 =	sadd.s32 s3, s9;
	s6 =	sadd.s32 @!p0 $0x88, s6;
	s7 =	simm.s32 @p2 $0x1082  }
0x22: {  	[simem:s7], [sflag:s8] =	dma.local @!p0 [hbm:s6], $0xF7A  }
0x23: {  	s9 =	sor.u32 $0xD0000000, s2;
	s6 =	simm.s32 $0x108;
	_ =	swait.ge @!p0 [sflag:s8], $0x0  }
0x24: {  	s3 =	sadd.s32 $0x88, s3;
	s6 =	simm.s32 @!p1 $0x1082;
	[sflag:s4] =	ssyncset.s32 $0xFFFFF086  }
0x25: {  	[simem:s6], [sflag:s4] =	dma.local [hbm:s3], $0xF7A  }
0x26: {  	[smem:$0x3F8D] =	sst s1;
	(tag) =	ssettag s2;
	_ =	strace s9  }
0x27: {  	s1 =	sld [smem:$0x3F9D]  }
0x28: {  	s2 =	sld [smem:$0x3F9E]  }
0x29: {  	s4 =	sld [smem:$0x3FA0]  }
0x2a: {  	p0 =	seq.s32 s5, $0x0;
	s5 =	sld [smem:$0x3FA1]  }
0x2b: {  	s6 =	sld [smem:$0x3FA2]  }
0x2c: {  	s7 =	sld [smem:$0x3FA3]  }
0x2d: {  	s3 =	simm.s32 $0x108;
	s8 =	sld [smem:$0x3FA4]  }
0x2e: {  	s3 =	simm.s32 @!p0 $0x1082;
	s9 =	sld [smem:$0x3FA5]  }
0x2f: {  	lr =	sadd.s32 s0, s3;
	s0 =	sld [smem:$0x3F9C]  }
0x30: {  	s3 =	sld [smem:$0x3F9F]  }
0x31: {  	[smem:$0x3FA8] =	sst s10  }
0x32: {  	s10 =	sld [smem:$0x3FA6];
	_ =	sdelay $0x3  }
0x33: {  	p0 =	seq.s32 s10, $0x1;
	s10 =	sld [smem:$0x3FA8];
	_ =	sdelay $0x3  }
0x34: {  	[smem:$0x3FA8] =	sst s10  }
0x35: {  	s10 =	sld [smem:$0x3FA7];
	_ =	sdelay $0x3  }
0x36: {  	p1 =	seq.s32 s10, $0x1;
	s10 =	sld [smem:$0x3FA8];
	_ =	sdelay $0x3  }
0x37: {  	[smem:$0x3FA8] =	sst s10  }
0x38: {  	s10 =	sld [smem:$0x3FA9]  }
0x39: {  	_ = 	snop;
	(pc) =	sbr.ind lr, $3  }
0x3a: {  	_ = 	snop  }
0x3b: {  	_ = 	snop  }
0x3c: {  	p2 =	seq.s32 s10, $0x1;
	s10 =	sld [smem:$0x3FA8]  }
0x3d: {  	_ =	shalt  }
0x3e: {  	_ =	shalt  }
0x3f: {  	_ =	shalt  }
0x40: {  	_ =	shalt  }
0x41: {  	_ =	shalt  }
0x42: {  	_ =	shalt  }
0x43: {  	_ =	shalt  }
0x44: {  	_ =	shalt  }
0x45: {  	_ =	shalt  }
0x46: {  	_ =	shalt  }
0x47: {  	_ =	shalt  }
0x48: {  	_ =	shalt  }
0x49: {  	_ =	shalt  }
0x4a: {  	_ =	shalt  }
0x4b: {  	_ =	shalt  }
0x4c: {  	_ =	shalt  }
0x4d: {  	_ =	shalt  }
0x4e: {  	_ =	shalt  }
0x4f: {  	_ =	shalt  }
0x50: {  	_ =	shalt  }
0x51: {  	_ =	shalt  }
0x52: {  	_ =	shalt  }
0x53: {  	_ =	shalt  }
0x54: {  	_ =	shalt  }
0x55: {  	_ =	shalt  }
0x56: {  	_ =	shalt  }
0x57: {  	_ =	shalt  }
0x58: {  	_ =	shalt  }
0x59: {  	_ =	shalt  }
0x5a: {  	_ =	shalt  }
0x5b: {  	_ =	shalt  }
0x5c: {  	_ =	shalt  }
0x5d: {  	_ =	shalt  }
0x5e: {  	_ =	shalt  }
0x5f: {  	_ =	shalt  }
0x60: {  	_ =	shalt  }
0x61: {  	_ =	shalt  }
0x62: {  	_ =	shalt  }
0x63: {  	_ =	shalt  }
0x64: {  	_ =	shalt  }
0x65: {  	_ =	shalt  }
0x66: {  	_ =	shalt  }
0x67: {  	_ =	shalt  }
0x68: {  	_ =	shalt  }
0x69: {  	_ =	shalt  }
0x6a: {  	_ =	shalt  }
0x6b: {  	_ =	shalt  }
0x6c: {  	_ =	shalt  }
0x6d: {  	_ =	shalt  }
0x6e: {  	_ =	shalt  }
0x6f: {  	_ =	shalt  }
0x70: {  	_ =	shalt  }
0x71: {  	_ =	shalt  }
0x72: {  	_ =	shalt  }
0x73: {  	_ =	shalt  }
0x74: {  	_ =	shalt  }
0x75: {  	_ =	shalt  }
0x76: {  	_ =	shalt  }
0x77: {  	_ =	shalt  }
0x78: {  	_ =	shalt  }
0x79: {  	_ =	shalt  }
0x7a: {  	_ =	shalt  }
0x7b: {  	_ =	shalt  }
0x7c: {  	_ =	shalt  }
0x7d: {  	_ =	shalt  }
0x7e: {  	_ =	shalt  }
0x7f: {  	_ =	shalt  }
0x80: {  	_ =	shalt  }
0x81: {  	_ =	shalt  }
0x82: {  	_ =	shalt  }
0x83: {  	_ =	shalt  }
0x84: {  	_ =	shalt  }
0x85: {  	_ =	shalt  }
0x86: {  	_ =	shalt  }
0x87: {  	_ =	shalt  }
.Lfunc_end0:
.L_simem_size_0:
called_computation_lowered:
.L_overlay_start_0:
0x88: {  	s2 =	sld [smem:$0x3FD9]  }
0x89: {  	s3 =	sld [smem:$0x3FFE];
	_ =	sdelay $0x1  }
0x8a: {  	s1 =	srdreg.scid  }
0x8b: {  	s0 =	sand.u32 $0x1, s1  }
0x8c: {  	s17 =	sshll.u32 s0, $0xA;
	s2 =	sadd.s32 s3, s2  }
0x8d: {  	s2 =	sadd.s32 s2, s17  }
0x8e: {  	[smem:$0x3FB4] =	sst s2  }
0x8f: {  	_ = 	snop  }
0x90: {  	s4 =	sld [smem:$0x3FC9]  }
0x91: {  	s18 =	sld [smem:$0x3FD0];
	(tm) =	ssettm $0x1  }
0x92: {  	s19 =	sld [smem:$0x3FFB];
	_ =	sdelay $0x3  }
0x93: {  	_ =	strace s19  }
0x94: {  	s2 =	sld [smem:$0x3FFC];
	_ =	sdelay $0x3  }
0x95: {  	_ =	strace s2  }
0x96: {  	s2 =	sld [smem:$0x3FFD];
	_ =	sdelay $0x3  }
0x97: {  	_ =	strace s2  }
0x98: {  	_ =	strace $0x8FFFFFFF  }
0x99: {  	s20 =	sld [smem:$0x3FDB];
	_ =	sdelay $0x1  }
0x9a: {  	s5 =	simm.s32 $_scs_section_size  }
0x9b: {  	s6 =	simm.s32 $_size__tile_overlayer_lowered;
	s7 =	simm.s32 $_tile_overlayer_lowered  }
0x9c: {  	s8 =	simm.s32 $0x1BFF;
	s21 =	sshll.u32 s7, $0x1;
	s5 =	sadd.s32 s5, s20  }
0x9d: {  	s22 =	simm.s32 $0x0;
	s6 =	sshll.u32 s6, $0x1;
	s7 =	sadd.s32 s21, s5  }
0x9e: {  	[timem:s22], [sflag:s8] =	dma.local [hbm:s7], s6  }
0x9f: {  	_ =	swait.ge [sflag:s8], s6  }
0xa0: {  	s6 =	ssub.s32 $0x0, s6;
	[sflag:s8] =	ssyncset.done $0x0  }
0xa1: {  	[sflag:s8] =	ssyncadd.s32 s6;
	_ =	sdelay $0x1  }
0xa2: {  	s23 =	simm.s32 $0x1B8B  }
0xa3: {  	_ =	swait.ge [sflag:s23], $0x1  }
0xa4: {  	[sflag:s23] =	ssyncset.done $0x0  }
0xa5: {  	[sflag:s23] =	ssyncadd.s32 $0xFFFFFFFF  }
0xa6: {  	s6 =	sld [smem:$0x0]  }
0xa7: {  	s7 =	sand.u32 $0xFFFFFFFE, s1  }
0xa8: {  	p0 =	sne.s32 s1, s7  }
0xa9: {  	s7 =	sshll.u32 @p0 s7, $0xE  }
0xaa: {  	s7 =	sadd.s32 @p0 $0x11B8D, s7;
	s8 =	sshll.u32 @p0 s6, $0x11  }
0xab: {  	s7 =	sor.u32 @p0 s8, s7  }
0xac: {  	[sflag:s7] =	ssyncadd.remote.s32 @p0 $0x1;
	_ =	sdelay $0x1  }
0xad: {  	s7 =	simm.s32 @p0 $0x1B8D  }
0xae: {  	_ =	swait.eq @p0 [sflag:s7], $0x1  }
0xaf: {  	[sflag:s7] =	ssyncadd.s32 @p0 $0xFFFFFFFF  }
0xb0: {  	s8 =	sshll.u32 @!p0 s1, $0xE  }
0xb1: {  	s8 =	sor.u32 @!p0 $0x4000, s8;
	s7 =	simm.s32 @!p0 $0x1B8D  }
0xb2: {  	s6 =	sshll.u32 @!p0 s6, $0x11;
	s8 =	sadd.s32 @!p0 $0x11B8D, s8;
	_ =	swait.eq @!p0 [sflag:s7], $0x1  }
0xb3: {  	s6 =	sor.u32 @!p0 s6, s8;
	[sflag:s7] =	ssyncadd.s32 @!p0 $0xFFFFFFFF  }
0xb4: {  	s25 =	simm.s32 $0x1B8E;
	s24 =	sld [smem:$0x3FFE];
	[sflag:s6] =	ssyncadd.remote.s32 @!p0 $0x1  }
0xb5: {  	s26 =	simm.s32 $execute0_lowered;
	[smem:$0x3FD2] =	sst s25  }
0xb6: {  	s7 =	sshll.u32 s26, $0x1;
	_ =	strace $0x80000049;
	[dreg:$0x1] =	wrdreg $0xFFFFFFFF  }
0xb7: {  	s28 =	simm.s32 $_size_execute0_lowered;
	s5 =	sadd.s32 s5, s7;
	[dreg:$0x0] =	wrdreg $0x0  }
0xb8: {  	s7 =	sshll.u32 s28, $0x1;
	[dreg:$0x2] =	wrdreg s5  }
0xb9: {  	[dreg:$0x3] =	wrdreg s7  }
0xba: {  	[dreg:$0x4] =	wrdreg $0xC0  }
0xbb: {  	_ =	task [dreg:s22], $0x5FFFF  }
0xbc: {  	[dreg:$0x1] =	wrdreg $0xFFFFFFFF  }
0xbd: {  	[dreg:$0x0] =	wrdreg $0x60  }
0xbe: {  	[dreg:$0x2] =	wrdreg s4  }
0xbf: {  	[dreg:$0x3] =	wrdreg s24  }
0xc0: {  	[dreg:$0x4] =	wrdreg s18  }
0xc1: {  	[dreg:$0x5] =	wrdreg $0x9  }
0xc2: {  	_ =	task.clear_ibuf [dreg:s22], $0x6FFFF;
	_ =	strace $0x90000049  }
0xc3: {  	s29 =	simm.s32 $0x9;
	_ =	strace $0x8000004B  }
0xc4: {  	_ =	swait.ge [sflag:s29], $0x1  }
0xc5: {  	[sflag:s29] =	ssyncadd.s32 $0xFFFFFFFF  }
0xc6: {  	_ =	strace $0x9000004B  }
0xc7: {  	_ =	sfence  }
0xc8: {  	s30 =	sld [smem:$0x0];
	_ =	sdelay $0x2  }
0xc9: {  	s31 =	sshll.u32 s1, $0xD;
	s1 =	sshrl.u32 s1, $0x2  }
0xca: {  	s4 =	sand.u32 $0x4000, s31;
	s1 =	sadd.s32 s1, s30  }
0xcb: {  	s0 =	sor.u32 s4, s0;
	s1 =	sshll.u32 s1, $0x11  }
0xcc: {  	s0 =	sor.u32 s1, s0  }
0xcd: {  	s0 =	sadd.s32 $0x8F2B, s0  }
0xce: {  	[sflag:s0] =	ssyncadd.remote.s32 $0x1  }
0xcf: {  	_ =	sfence.sel $0xFFFF  }
0xd0: {  	[dreg:$0x0] =	wrdreg $0xFFFFFFFF;
	(pc) =	sbr.abs _section_cstart, $3  }
0xd1: {  	[dreg:$0x1] =	wrdreg $0xFFFFFFFF  }
0xd2: {  	_ =	task.clear_ibuf [dreg:s22], $0x2FFFF;
	_ =	strace $0x9FFFFFFF  }
0xd3: {  	(tm) =	ssettm $0x7FFFFFFF  }
tec
execute0_lowered:
.L_overlay_start_1:
0x0: {  	(tag) =	ssettag $0x1  }
0x1: {  	s1 =	rddreg [dreg:$0x0]  }
0x2: {  	s4 =	rddreg [dreg:$0x1];
	s2 =	srdreg.scid  }
0x3: {  	s0 =	stileid.u32;
	s6 =	rddreg [dreg:$0x2]  }
0x4: {  	s3 =	simm.s32 $0x0;
	s14 =	simm.s32 $0x2600;
	s15 =	simm.s32 $0x2  }
0x5: {  	s16 =	simm.s32 $0xC0;
	s17 =	simm.s32 $0x8E00;
	s18 =	simm.s32 $0x3  }
0x6: {  	s19 =	simm.s32 $0x4;
	s20 =	simm.s32 $0xEE00;
	s21 =	simm.s32 $0x5  }
0x7: {  	s5 =	sand.u32 $0x1, s2;
	s7 =	sshll.u32 s0, $0x1;
	s12 =	smul.u32 $0x25800, s0  }
0x8: {  	s2 =	rddreg [dreg:$0x3];
	s7 =	sor.u32 s5, s7;
	s30 =	smul.u32 $0x12C00, s5  }
0x9: {  	s22 =	simm.s32 $0x0;
	[smem:$0x7FF] =	sst s3;
	s8 =	smul.u32 $0x12C0, s7  }
0xa: {  	s13 =	sadd.s32 $0x2AC600, s4;
	s10 =	ssub.s32 $0x2, s5;
	s9 =	smul.u32 $0x500, s7  }
0xb: {  	_ =	strace $0x8000004A;
	s7 =	smul.u32 $0x12C00, s7;
	s11 =	sshrl.u32 s10, $0x1  }
0xc: {  	s31 =	sadd.s32 s12, s13;
	s12 =	simm.s32 $0x1;
	s10 =	ssub.s32 s10, s11  }
0xd: {  	s11 =	sadd.s32 s30, s31;
	s8 =	sshrl.u32 s8, $0x3;
	s6 =	sadd.s32 s6, s9  }
0xe: {  	s7 =	sadd.s32 s13, s7;
	s13 =	simm.s32 $0xD0;
	s8 =	sadd.s32 s8, s4  }
0xf: {  	s9 =	sadd.s32 $0xD00, s7;
	s4 =	sadd.s32 $0x4A00, s8;
	s5 =	sadd.s32 $0xE800, s8  }
0x10: {  	v0 =	vimm.f32 $0.0e+00;
	v1 =	vimm.f32 $1.000000000e+00;
	s8 =	smax.u32 s10, $0x1;
	s10 =	sadd.s32 $0x1900, s11;
	s11 =	simm.s32 $0x1300  }
.LBB2_1:
0x11: {  	[tilespmem:s3], [sflag:$0x1] =	stream.linear.gather [hbm4b:s4+s3], $0x12C0, $0x38;
	[tilespmem:$0x11600] =	vst v63  }
0x12: {  	s23 =	simm.s32 $0x40;
	s24 =	simm.s32 $0x0  }
0x13: {  	[tilespmem:s11], [sflag:$0x1] =	stream.linear.gather [hbm4b:s5+s3], $0x12C0, $0x38;
	[tilespmem:$0x11600] =	vst v63  }
.LBB2_2:
0x14: {  	p0 =	sne.s32 s23, $0x9FC0;
	[tilespmem:s24+$0xEE00] =	vst v0;
	s24 =	smov.u32 s23;
	s23 =	sadd.s32 $0x40, s23  }
.Ltmp0:
0x15: {  	(pc) =	sbr.rel @p0 .LBB2_2-.Ltmp0, $2  }
0x16: {  	_ =	sdelay $0x2  }
0x17: {  	s24 =	sshra.s32 s24, $0x2  }
0x18: {  	[tilespmem:s24+$0xEE00] =	vst v0  }
0x19: {  	_ =	swait.ge [sflag:s12], $0x12C0  }
0x1a: {  	[sflag:s12] =	ssyncset.done $0x0  }
0x1b: {  	[sflag:s12] =	ssyncadd.s32 $0xFFFFED40  }
0x1c: {  	_ =	swait.ge [sflag:s12], $0x12C0  }
0x1d: {  	[sflag:s12] =	ssyncset.done $0x0  }
0x1e: {  	s23 =	simm.s32 $0x0;
	[sflag:s12] =	ssyncadd.s32 $0xFFFFED40  }
0x1f: {  	[tilespmem:s14], [sflag:$0x2] =	stream.indirect.gather [hbm4b:s1+s13], $0x80, s23, s13, $0xb8;
	[tilespmem:$0x11600] =	vst v63  }
0x20: {  	_ =	swait.ge [sflag:s15], $0x6800  }
0x21: {  	[sflag:s15] =	ssyncset.done $0x0  }
0x22: {  	[sflag:s15] =	ssyncadd.s32 $0xFFFF9800  }
0x23: {  	[hbm4b:s7+s23] =	stream.linear.scatter [tilespmem:s14], [sflag:$0x3], $0x6800, $0x38;
	[tilespmem:$0x11600] =	vst v63  }
0x24: {  	_ = 	snop  }
0x25: {  	[tilespmem:s17], [sflag:$0x2] =	stream.indirect.gather [hbm4b:s1+s16], $0x80, s13, s16, $0xb8;
	[tilespmem:$0x11600] =	vst v63  }
0x26: {  	_ =	swait.ge [sflag:s15], $0x6000  }
0x27: {  	[sflag:s15] =	ssyncset.done $0x0  }
0x28: {  	[sflag:s15] =	ssyncadd.s32 $0xFFFFA000  }
0x29: {  	[hbm4b:s9+s23] =	stream.linear.scatter [tilespmem:s17], [sflag:$0x4], $0x6000, $0x38;
	[tilespmem:$0x11600] =	vst v63  }
0x2a: {  	_ =	swait.ge [sflag:s18], $0x6800  }
0x2b: {  	[sflag:s18] =	ssyncset.done $0x0  }
0x2c: {  	s30 =	simm.s32 $0x190;
	[sflag:s18] =	ssyncadd.s32 $0xFFFF9800  }
0x2d: {  	[tilespmem:s14], [sflag:$0x2] =	stream.indirect.gather [hbm4b:s1+s13], $0x80, s30, s13, $0xb8;
	[tilespmem:$0x11600] =	vst v63  }
0x2e: {  	_ =	swait.ge [sflag:s15], $0x6800  }
0x2f: {  	[sflag:s15] =	ssyncset.done $0x0  }
0x30: {  	[sflag:s15] =	ssyncadd.s32 $0xFFFF9800  }
0x31: {  	[hbm4b:s10+s3] =	stream.linear.scatter [tilespmem:s14], [sflag:$0x3], $0x6800, $0x38;
	[tilespmem:$0x11600] =	vst v63  }
0x32: {  	_ =	swait.ge [sflag:s19], $0x6000  }
0x33: {  	[sflag:s19] =	ssyncset.done $0x0  }
0x34: {  	s31 =	simm.s32 $0x260;
	[sflag:s19] =	ssyncadd.s32 $0xFFFFA000  }
0x35: {  	[tilespmem:s17], [sflag:$0x2] =	stream.indirect.gather [hbm4b:s1+s16], $0x80, s31, s16, $0xb8;
	[tilespmem:$0x11600] =	vst v63  }
0x36: {  	_ =	swait.ge [sflag:s15], $0x6000  }
0x37: {  	s25 =	sadd.s32 $0xD00, s10;
	[sflag:s15] =	ssyncset.done $0x0  }
0x38: {  	s24 =	sadd.s32 $0x1900, s10;
	s23 =	simm.s32 $0x640;
	[sflag:s15] =	ssyncadd.s32 $0xFFFFA000  }
.LBB2_4:
0x39: {  	[hbm4b:s25+s3] =	stream.linear.scatter [tilespmem:s17], [sflag:$0x4], $0x6000, $0x38;
	[tilespmem:$0x11600] =	vst v63  }
0x3a: {  	s25 =	smov.u32 s23  }
0x3b: {  	p0 =	sne.s32 s23, $0x3E80;
	s23 =	sadd.s32 $0x640, s23;
	_ =	swait.ge [sflag:s18], $0x6800  }
0x3c: {  	s25 =	sshra.s32 s25, $0x2;
	[sflag:s18] =	ssyncset.done $0x0  }
0x3d: {  	s26 =	sadd.s32 $0x190, s25;
	[sflag:s18] =	ssyncadd.s32 $0xFFFF9800  }
0x3e: {  	[tilespmem:s14], [sflag:$0x2] =	stream.indirect.gather [hbm4b:s1+s13], $0x80, s26, s13, $0xb8;
	[tilespmem:$0x11600] =	vst v63  }
0x3f: {  	_ =	swait.ge [sflag:s15], $0x6800  }
0x40: {  	[sflag:s15] =	ssyncset.done $0x0  }
0x41: {  	[sflag:s15] =	ssyncadd.s32 $0xFFFF9800  }
0x42: {  	[hbm4b:s24+s3] =	stream.linear.scatter [tilespmem:s14], [sflag:$0x3], $0x6800, $0x38;
	[tilespmem:$0x11600] =	vst v63  }
0x43: {  	_ =	swait.ge [sflag:s19], $0x6000  }
0x44: {  	[sflag:s19] =	ssyncset.done $0x0  }
.Ltmp1:
0x45: {  	s25 =	sadd.s32 $0x260, s25;
	[sflag:s19] =	ssyncadd.s32 $0xFFFFA000;
	(pc) =	sbr.rel @p0 .LBB2_4-.Ltmp1, $4  }
0x46: {  	[tilespmem:s17], [sflag:$0x2] =	stream.indirect.gather [hbm4b:s1+s16], $0x80, s25, s16, $0xb8;
	[tilespmem:$0x11600] =	vst v63  }
0x47: {  	_ =	swait.ge [sflag:s15], $0x6000  }
0x48: {  	[sflag:s15] =	ssyncset.done $0x0  }
0x49: {  	s25 =	sadd.s32 $0xD00, s24;
	s24 =	sadd.s32 $0x1900, s24;
	[sflag:s15] =	ssyncadd.s32 $0xFFFFA000  }
0x4a: {  	[hbm4b:s25+s3] =	stream.linear.scatter [tilespmem:s17], [sflag:$0x4], $0x6000, $0x38;
	[tilespmem:$0x11600] =	vst v63  }
0x4b: {  	_ =	swait.ge [sflag:s18], $0x6800  }
0x4c: {  	[sflag:s18] =	ssyncset.done $0x0  }
0x4d: {  	[sflag:s18] =	ssyncadd.s32 $0xFFFF9800  }
0x4e: {  	_ =	swait.ge [sflag:s19], $0x6000  }
0x4f: {  	[sflag:s19] =	ssyncset.done $0x0  }
0x50: {  	s24 =	simm.s32 $0x0;
	s23 =	simm.s32 $0x40;
	[sflag:s19] =	ssyncadd.s32 $0xFFFFA000  }
.LBB2_6:
0x51: {  	p0 =	sne.s32 s23, $0x4AC0;
	v2 =	vld [tilespmem:s24+$0x1300];
	_ =	sdelay $0x3  }
.Ltmp2:
0x52: {  	(pc) =	sbr.rel @p0 .LBB2_6-.Ltmp2, $2  }
0x53: {  	_ =	sdelay $0x2  }
0x54: {  	s24 =	sshra.s32 s23, $0x2;
	s23 =	sadd.s32 $0x40, s23;
	[tilespmem:v2+s20+$0x0] =	vst.idx.add.f32.msk $0xffff, v1  }
0x55: {  	v2 =	vld [tilespmem:s24+$0x1300];
	_ =	sdelay $0x5  }
0x56: {  	s22 =	sadd.s32 $0x1, s22  }
0x57: {  	p0 =	sne.s32 s22, s8  }
.Ltmp3:
0x58: {  	[tilespmem:v2+s20+$0x0] =	vst.idx.add.f32.msk $0xffff, v1;
	(pc) =	sbr.rel @p0 .LBB2_1-.Ltmp3, $4  }
0x59: {  	[hbm4b:s6+s3] =	stream.linear.scatter [tilespmem:s20], [sflag:$0x5], $0x2800, $0x38;
	[tilespmem:$0x11600] =	vst v63  }
0x5a: {  	_ =	swait.ge [sflag:s21], $0x2800  }
0x5b: {  	[sflag:s21] =	ssyncset.done $0x0  }
0x5c: {  	[sflag:s21] =	ssyncadd.s32 $0xFFFFD800  }
0x5d: {  	_ =	sfence.sel $0x180000  }
0x5e: {  	[bflag:$0x0] =	sbarrier.arrive $0xFFFF  }
0x5f: {  	p0 =	sne.s32 s0, $0x0;
	_ =	strace $0x9000004A  }
0x60: {  	s0 =	sadd.s32 @!p0 $0x100000, s2;
	[bflag:$0x2] =	sbarrier.arrive $0xFFFF  }
0x61: {  	[sflag:s0] =	ssyncadd.tile.s32 @!p0 $0x1;
	_ =	shalt  }
.Lfunc_end2:
_tile_overlayer_lowered:
.L_overlay_start_2:
0x62: {  	(tag) =	ssettag $0x2  }
0x63: {  	s0 =	rddreg [dreg:$0x0];
	s2 =	stileid.u32  }
0x64: {  	s1 =	rddreg [dreg:$0x1];
	p0 =	sne.s32 s2, $0x0  }
0x65: {  	s3 =	rddreg [dreg:$0x2];
	[bflag:$0x3] =	sbarrier.arrive $0xFFFF;
	s2 =	simm.s32 @!p0 $0x1C05  }
0x66: {  	[timem:s3], [sflag:s2] =	dma.local @!p0 [hbm:s0], s1  }
0x67: {  	s0 =	simm.s32 @!p0 $0x5  }
0x68: {  	_ =	swait.ge @!p0 [sflag:s0], s1  }
0x69: {  	s1 =	ssub.s32 @!p0 $0x0, s1;
	[sflag:s0] =	ssyncset.done @!p0 $0x0  }
0x6a: {  	[sflag:s0] =	ssyncadd.s32 @!p0 s1  }
0x6b: {  	[bflag:$0x3] =	sbarrier.arrive $0xFFFF  }
0x6c: {  	_ =	shalt  }

</sc_bundles>
